<compile_context>
chip_gen: v7x
topology: tpu7x:2x2x1
jax: 0.10.2.dev20260603
libtpu: 0.0.44.dev20260713+nightly
codegen_flags: <defaults>
</compile_context>

<pallas_src>
import functools

import jax
import jax.numpy as jnp
from jax import lax
from jax.experimental import pallas as pl
from jax.experimental.pallas import tpu as pltpu
from jax.experimental.pallas import tpu_sc as plsc

E = 160000
T = 480000
H = 128
F = 64
NR = 6
NSR = 42

NCORE = 2
NSUB = 16

C = 20000
KCH = 4
EP = NCORE * KCH * C
TS = T // NSUB
TW = T // (NCORE * NSUB)
GB = 1000
MB = 5000
NMB = TS // MB
AROWS = 40
NGRP = 48
ZROWS = (C + 128) // NSUB
DRAIN = C // NSUB

_f32 = jnp.float32


def _swish(x):
    return x * jax.nn.sigmoid(x)



def _edges_body(x1_ref, rbf0_ref, wji_ref, bji_ref, wkj_ref, bkj_ref,
                wr1_ref, wr2_ref, wd_ref, xji_ref, xkj_ref):
    x1 = x1_ref[...]
    a = jnp.dot(x1, wji_ref[...], preferred_element_type=_f32) + bji_ref[...]
    xji_ref[...] = _swish(a)
    b = jnp.dot(x1, wkj_ref[...], preferred_element_type=_f32) + bkj_ref[...]
    r1 = jnp.dot(rbf0_ref[...], wr1_ref[...], preferred_element_type=_f32)
    rbf = jnp.dot(r1, wr2_ref[...], preferred_element_type=_f32)
    c = _swish(b) * rbf
    d = jnp.dot(c, wd_ref[...], preferred_element_type=_f32)
    e = _swish(d)
    xkj_ref[...] = jnp.concatenate([e, jnp.zeros_like(e)], axis=1)


def _edges(x1, rbf0, w_ji, b_ji, w_kj, b_kj, w_rbf1, w_rbf2, w_down):
    be = 2000
    grid = (E // be,)
    full = lambda shape: pl.BlockSpec(shape, lambda i: (0, 0))
    return pl.pallas_call(
        _edges_body,
        grid=grid,
        in_specs=[
            pl.BlockSpec((be, H), lambda i: (i, 0)),
            pl.BlockSpec((be, NR), lambda i: (i, 0)),
            full((H, H)), full((1, H)), full((H, H)), full((1, H)),
            full((NR, 8)), full((8, H)), full((H, F)),
        ],
        out_specs=[
            pl.BlockSpec((be, H), lambda i: (i, 0)),
            pl.BlockSpec((be, 2 * F), lambda i: (i, 0)),
        ],
        out_shape=[
            jax.ShapeDtypeStruct((E, H), _f32),
            jax.ShapeDtypeStruct((E, 2 * F), _f32),
        ],
        compiler_params=pltpu.CompilerParams(
            dimension_semantics=("parallel",)),
    )(x1, rbf0, w_ji, b_ji, w_kj, b_kj, w_rbf1, w_rbf2, w_down)



def _prod_body(sbf_ref, g_ref, w1_ref, w2_ref, out_ref):
    s1 = jnp.dot(sbf_ref[...], w1_ref[...], preferred_element_type=_f32)
    s = jnp.dot(s1, w2_ref[...], preferred_element_type=_f32)
    out_ref[...] = s * g_ref[...]


def _prod(sbf2, g2, w1b, w2b):
    bt2 = 2000
    grid = (T // 2 // bt2,)
    full = lambda shape: pl.BlockSpec(shape, lambda i: (0, 0))
    return pl.pallas_call(
        _prod_body,
        grid=grid,
        in_specs=[
            pl.BlockSpec((bt2, 2 * NSR), lambda i: (i, 0)),
            pl.BlockSpec((bt2, 2 * F), lambda i: (i, 0)),
            full((2 * NSR, 2 * F)), full((2 * F, 2 * F)),
        ],
        out_specs=pl.BlockSpec((bt2, 2 * F), lambda i: (i, 0)),
        out_shape=jax.ShapeDtypeStruct((T // 2, 2 * F), _f32),
        compiler_params=pltpu.CompilerParams(
            dimension_semantics=("parallel",)),
    )(sbf2, g2, w1b, w2b)



_sc_mesh = plsc.VectorSubcoreMesh(
    core_axis_name="c", subcore_axis_name="s",
    num_cores=NCORE, num_subcores=NSUB)


@functools.partial(
    pl.kernel,
    out_type=jax.ShapeDtypeStruct((T, F), _f32),
    mesh=_sc_mesh,
    scratch_types=[
        pltpu.VMEM((GB,), jnp.int32),
        pltpu.VMEM((GB, F), _f32),
        pltpu.SemaphoreType.DMA,
    ],
    compiler_params=pltpu.CompilerParams(use_tc_tiling_on_sc=False, needs_layout_passes=False),
)
def _sc_gather(xkj_hbm, idxkj_hbm, out_hbm, idx_v, rows_v, sem):
    wid = lax.axis_index("s") * NCORE + lax.axis_index("c")
    base = wid * TW

    def blk(g, carry):
        off = base + g * GB
        pltpu.sync_copy(idxkj_hbm.at[pl.ds(off, GB)], idx_v)
        pltpu.async_copy(xkj_hbm.at[idx_v], rows_v, sem).wait()
        pltpu.sync_copy(rows_v, out_hbm.at[pl.ds(off, GB)])
        return carry

    lax.fori_loop(0, TW // GB, blk, jnp.int32(0))



@functools.partial(
    pl.kernel,
    out_type=jax.ShapeDtypeStruct((EP, F), _f32),
    mesh=_sc_mesh,
    scratch_types=[
        pltpu.VMEM((MB,), jnp.int32),
        pltpu.VMEM((NGRP, 128), jnp.int32),
        pltpu.VMEM((NGRP, 128), jnp.int32),
        pltpu.VMEM((128, F), _f32),
        pltpu.VMEM((16, F), _f32),
        pltpu.VMEM((16,), jnp.int32),
        pltpu.VMEM((16,), jnp.int32),
        pltpu.VMEM((C,), jnp.int32),
        pltpu.VMEM_SHARED((C + 128, F), _f32),
        pltpu.SemaphoreType.DMA,
    ],
    compiler_params=pltpu.CompilerParams(use_tc_tiling_on_sc=False, needs_layout_passes=False),
)
def _sc_scatter(prod_hbm, idxji_hbm, zeros_hbm, out_hbm,
                stage, tix2d, dst2d, prows, b16, tixb, dstb, cntarr, acc, sem):
    cid = lax.axis_index("c")
    sid = lax.axis_index("s")
    iot = jnp.arange(16, dtype=jnp.int32)
    zero16 = jnp.zeros((16,), jnp.int32)

    def zcnt(i, carry):
        cntarr[pl.ds(i * 16, 16)] = zero16
        return carry
    lax.fori_loop(0, C // 16, zcnt, jnp.int32(0))

    occ0, _ = plsc.scan_count(zero16)
    occ_base = jnp.sum(jnp.where(iot == 0, occ0, 0))
    occ_off = 1 - occ_base

    def fire_b(tixv, dstv, valid):
        occ2, _ = plsc.scan_count(jnp.where(valid, dstv, -1), mask=valid)
        occ2 = occ2 + occ_off
        mx = jnp.max(jnp.where(valid, occ2, 0))

        def rnd(r, carry):
            mr = valid & (occ2 == r + 1)
            tixb[...] = jnp.where(mr, tixv, iot)
            dstb[...] = jnp.where(mr, dstv, C + iot)
            pltpu.async_copy(prod_hbm.at[tixb], b16, sem).wait()
            pltpu.sync_copy(b16, acc.at[dstb], add=True)
            return carry

        lax.fori_loop(0, mx, rnd, jnp.int32(0))

    def process_b(nb):
        def bvreg(k, carry):
            row = AROWS + lax.shift_right_logical(k, 3)
            cb = lax.bitwise_and(k, 7) * 16
            dstv = dst2d[row, pl.ds(cb, 16)]
            tixv = tix2d[row, pl.ds(cb, 16)]
            valid = (k * 16 + iot) < nb
            fire_b(tixv, dstv, valid)
            return carry

        nv = lax.shift_right_logical(nb + 15, 4)
        lax.fori_loop(0, nv, bvreg, jnp.int32(0))

    def do_pass(g, carry):
        lo = (KCH * cid + g) * C
        pltpu.sync_copy(zeros_hbm.at[pl.ds(0, ZROWS)],
                        acc.at[pl.ds(sid * ZROWS, ZROWS)])
        plsc.subcore_barrier()

        def macro(mb, carry_mb):
            base = sid * TS + mb * MB
            pltpu.sync_copy(idxji_hbm.at[pl.ds(base, MB)], stage)

            def scan16(i, cnt):
                na, nb = cnt
                v = stage[pl.ds(i * 16, 16)]
                m = (v >= lo) & (v < lo + C)
                dst = jnp.where(m, v - lo, 0)
                occ, lastm = plsc.scan_count(jnp.where(m, dst, -1), mask=m)
                prev = plsc.load_gather(cntarr, [dst])
                tocc = prev + occ + occ_off
                plsc.store_scatter(cntarr, [dst], tocc, mask=lastm & m)
                tv = base + i * 16 + iot
                ma = m & (tocc == 1)
                slot = na + plsc.cumsum(jnp.where(ma, 1, 0)) - 1
                row = lax.shift_right_logical(slot, 7)
                col = lax.bitwise_and(slot, 127)
                plsc.store_scatter(dst2d, [row, col], dst, mask=ma)
                plsc.store_scatter(tix2d, [row, col], tv, mask=ma)
                mb2 = m & (tocc > 1)
                slotb = nb + plsc.cumsum(jnp.where(mb2, 1, 0)) - 1
                rowb = AROWS + lax.shift_right_logical(slotb, 7)
                colb = lax.bitwise_and(slotb, 127)
                plsc.store_scatter(dst2d, [rowb, colb], dst, mask=mb2)
                plsc.store_scatter(tix2d, [rowb, colb], tv, mask=mb2)
                na = na + jnp.sum(jnp.where(ma, 1, 0))
                nb = nb + jnp.sum(jnp.where(mb2, 1, 0))

                def flush(nbf):
                    process_b(nbf)
                    return jnp.int32(0)

                nb = lax.cond(nb > (NGRP - AROWS) * 128 - 16, flush,
                              lambda x: x, nb)
                return (na, nb)

            na, nb = lax.fori_loop(0, MB // 16, scan16,
                                   (jnp.int32(0), jnp.int32(0)))

            r_last = jnp.full((16,), lax.shift_right_logical(na, 7), jnp.int32)
            bcol = lax.bitwise_and(na, 127)
            for j in range(8):
                colv = iot + j * 16
                mt = colv >= bcol
                plsc.store_scatter(dst2d, [r_last, colv], C + colv, mask=mt)
                plsc.store_scatter(tix2d, [r_last, colv], colv, mask=mt)

            n_grp = lax.shift_right_logical(na + 127, 7)

            def grp(g2, carry2):
                pltpu.async_copy(prod_hbm.at[tix2d.at[g2]], prows, sem).wait()
                pltpu.sync_copy(prows, acc.at[dst2d.at[g2]], add=True)
                return carry2

            lax.fori_loop(0, n_grp, grp, jnp.int32(0))
            process_b(nb)

            def zrow(k, carry):
                row = lax.shift_right_logical(k, 3)
                cb = lax.bitwise_and(k, 7) * 16
                dstv = dst2d[row, pl.ds(cb, 16)]
                valid = (k * 16 + iot) < na
                plsc.store_scatter(cntarr, [jnp.where(valid, dstv, 0)],
                                   zero16, mask=valid)
                return carry

            lax.fori_loop(0, lax.shift_right_logical(na + 15, 4), zrow,
                          jnp.int32(0))
            return carry_mb

        lax.fori_loop(0, NMB, macro, jnp.int32(0))
        plsc.subcore_barrier()
        pltpu.sync_copy(acc.at[pl.ds(sid * DRAIN, DRAIN)],
                        out_hbm.at[pl.ds(lo + sid * DRAIN, DRAIN)])
        plsc.subcore_barrier()
        return carry

    lax.fori_loop(0, KCH, do_pass, jnp.int32(0))



def _final_body(agg_ref, xji_ref, wup_ref, out_ref):
    u = jnp.dot(agg_ref[...], wup_ref[...], preferred_element_type=_f32)
    out_ref[...] = xji_ref[...] + _swish(u)


def _final(agg, x_ji, w_up):
    be = 2000
    grid = (E // be,)
    return pl.pallas_call(
        _final_body,
        grid=grid,
        in_specs=[
            pl.BlockSpec((be, F), lambda i: (i, 0)),
            pl.BlockSpec((be, H), lambda i: (i, 0)),
            pl.BlockSpec((F, H), lambda i: (0, 0)),
        ],
        out_specs=pl.BlockSpec((be, H), lambda i: (i, 0)),
        out_shape=jax.ShapeDtypeStruct((E, H), _f32),
        compiler_params=pltpu.CompilerParams(
            dimension_semantics=("parallel",)),
    )(agg, x_ji, w_up)


def kernel(x1, x2, rbf0, sbf, t, idx_kj, idx_ji,
           W_rbf1, W_rbf2, W_sbf1, W_sbf2, W_kj, b_kj, W_ji, b_ji,
           W_down, W_up):
    idx_kj = idx_kj.astype(jnp.int32)
    idx_ji = idx_ji.astype(jnp.int32)
    x_ji, xkj = _edges(x1, rbf0, W_ji, b_ji.reshape(1, H), W_kj,
                       b_kj.reshape(1, H), W_rbf1, W_rbf2, W_down)
    gathered = _sc_gather(xkj.reshape(2 * E, F), idx_kj * 2)
    w1b = jnp.block([[W_sbf1, jnp.zeros((NSR, F), _f32)],
                     [jnp.zeros((NSR, F), _f32), W_sbf1]])
    w2b = jnp.block([[W_sbf2, jnp.zeros((F, F), _f32)],
                     [jnp.zeros((F, F), _f32), W_sbf2]])
    sbf2 = sbf.reshape(T // 2, 2 * NSR)
    prod2 = _prod(sbf2, gathered.reshape(T // 2, 2 * F), w1b, w2b)
    zeros = jnp.zeros((ZROWS, F), _f32)
    agg = _sc_scatter(prod2.reshape(T, F), idx_ji, zeros)
    return _final(agg, x_ji, W_up)

# --- scband reference (transcript-rebuilt; emitter-appended) ---
"""Pipeline reference for scband-update-e-t-13469017440641 (READ-ONLY COPY).

The authoritative reference and input builder live on the scoring server;
editing this copy changes nothing except your own understanding.
"""

import jax, jax.numpy as jnp
import numpy as np

E = 160000
T = 480000
H = 128
INT = 64
BD = 8
NR = 6
NS = 7

def swish(x):
    return x * jax.nn.sigmoid(x)

def _w(k, shape):
    fan_in = shape[0]
    return jax.random.normal(k, shape, dtype=jnp.float32) * (1.0 / np.sqrt(fan_in))

def setup_inputs(seed: int = 0) -> dict:
    key = jax.random.key(seed)
    ks = jax.random.split(key, 20)
    x1 = jax.random.normal(ks[0], (E, H), dtype=jnp.float32)
    x2 = jax.random.normal(ks[1], (E, H), dtype=jnp.float32)
    rbf0 = jax.random.uniform(ks[2], (E, NR), dtype=jnp.float32)
    sbf = jax.random.uniform(ks[3], (T, NS * NR), dtype=jnp.float32)
    t = jax.random.uniform(ks[4], (T, NS * NR), dtype=jnp.float32)
    idx_kj = jax.random.randint(ks[5], (T,), 0, E)
    idx_ji = jax.random.randint(ks[6], (T,), 0, E)
    W_rbf1 = _w(ks[7], (NR, BD))
    W_rbf2 = _w(ks[8], (BD, H))
    W_sbf1 = _w(ks[9], (NS * NR, INT))
    W_sbf2 = _w(ks[10], (INT, INT))
    W_kj = _w(ks[11], (H, H))
    b_kj = jnp.zeros((H,), dtype=jnp.float32)
    W_ji = _w(ks[12], (H, H))
    b_ji = jnp.zeros((H,), dtype=jnp.float32)
    W_down = _w(ks[13], (H, INT))
    W_up = _w(ks[14], (INT, H))
    return {"x1": x1, "x2": x2, "rbf0": rbf0, "sbf": sbf, "t": t,
            "idx_kj": idx_kj, "idx_ji": idx_ji,
            "W_rbf1": W_rbf1, "W_rbf2": W_rbf2, "W_sbf1": W_sbf1, "W_sbf2": W_sbf2,
            "W_kj": W_kj, "b_kj": b_kj, "W_ji": W_ji, "b_ji": b_ji,
            "W_down": W_down, "W_up": W_up}

def reference(x1, x2, rbf0, sbf, t, idx_kj, idx_ji,
              W_rbf1, W_rbf2, W_sbf1, W_sbf2, W_kj, b_kj, W_ji, b_ji, W_down, W_up):
    # x = (x1, x2); emb = (rbf0, sbf, t); use_bilinear=False path
    x_ji = swish(x1 @ W_ji + b_ji)
    x_kj = swish(x1 @ W_kj + b_kj)
    rbf = (rbf0 @ W_rbf1) @ W_rbf2
    x_kj = x_kj * rbf
    x_kj = swish(x_kj @ W_down)
    s = (sbf @ W_sbf1) @ W_sbf2
    x_kj = jnp.take(x_kj, idx_kj, axis=0) * s
    x_kj = jax.ops.segment_sum(x_kj, idx_ji, num_segments=x1.shape[0])
    x_kj = swish(x_kj @ W_up)
    e = x_ji + x_kj
    return e

if __name__ == "__main__":
    import jax
    _d = setup_inputs()
    print(jax.jit(kernel)(*tuple(_d.values())))

</pallas_src>

<mosaic_0001>
#map = affine_map<(d0, d1) -> (0, 0)>
#map1 = affine_map<(d0, d1) -> (0)>
module attributes {stable_mosaic.version = 14 : i64} {
  func.func @_sc_scatter(%arg0: i32, %arg1: i32, %arg2: memref<480000x64xf32, #tpu.memory_space<hbm>>, %arg3: memref<480000xi32, #tpu.memory_space<hbm>>, %arg4: memref<1258x64xf32, #tpu.memory_space<hbm>>, %arg5: memref<160000x64xf32, #tpu.memory_space<hbm>>, %arg6: memref<5000xi32, #tpu.memory_space<vmem>>, %arg7: memref<48x128xi32, #tpu.memory_space<vmem>>, %arg8: memref<48x128xi32, #tpu.memory_space<vmem>>, %arg9: memref<128x64xf32, #tpu.memory_space<vmem>>, %arg10: memref<16x64xf32, #tpu.memory_space<vmem>>, %arg11: memref<16xi32, #tpu.memory_space<vmem>>, %arg12: memref<16xi32, #tpu.memory_space<vmem>>, %arg13: memref<20000xi32, #tpu.memory_space<vmem>>, %arg14: memref<20128x64xf32, #tpu.memory_space<vmem_shared>>, %arg15: memref<!tpu.dma_semaphore, #tpu.memory_space<semaphore_mem>>) attributes {dimension_semantics = [#tpu.dimension_semantics<core_parallel>, #tpu.dimension_semantics<subcore_parallel>], iteration_bounds = array<i64: 2, 16>, scalar_prefetch = 0 : i64, scratch_operands = 10 : i64, tpu.core_type = #tpu.core_type<sc_vector_subcore>, window_params = [{transform_indices = #map}, {transform_indices = #map1}, {transform_indices = #map}, {transform_indices = #map}]} {
    %iota3A = tpu.iota {dimensions = array<i32: 0>} : vector<16xi32>
    %broadcast_in_dim3A = arith.constant 0 : i32
    %broadcast_in_dim3A_0 = vector.broadcast %broadcast_in_dim3A : i32 to vector<16xi32>
    %scan3A = arith.constant 0 : i32
    %scan3A_1 = arith.constant 0 : i32
    %scan3A_2 = arith.constant 1250 : i32
    %scan3A_3 = arith.addi %scan3A_1, %scan3A_2 : i32
    %scan3A_4 = arith.constant 1 : i32
    scf.for %scan3A_22 = %scan3A_1 to %scan3A_3 step %scan3A_4  : i32 {
      %mul3A = arith.constant 16 : i32
      %mul3A_23 = arith.muli %scan3A_22, %mul3A : i32
      %swap3A = arith.index_cast %mul3A_23 : i32 to index
      %swap3A_24 = tpu.vector_load %arg13[%swap3A] {strides = array<i32>} : memref<20000xi32, #tpu.memory_space<vmem>>, vector<16xi32>,
      tpu.vector_store %arg13[%swap3A], %broadcast_in_dim3A_0 {strides = array<i32>} : memref<20000xi32, #tpu.memory_space<vmem>>, vector<16xi32>,
    }
    %scan3A_5 = arith.constant 1250 : i32
    %broadcast_in_dim3A_6 = arith.constant true
    %broadcast_in_dim3A_7 = vector.broadcast %broadcast_in_dim3A_6 : i1 to vector<16xi1>
    %unique3A, %unique3A_8 = tpu.scan_count mask(%broadcast_in_dim3A_7 : vector<16xi1>) value(%broadcast_in_dim3A_0 : vector<16xi32>) : vector<16xi1>, vector<16xi32>
    %eq3A = arith.constant 0 : i32
    %eq3A_9 = vector.broadcast %eq3A : i32 to vector<16xi32>
    %eq3A_10 = arith.cmpi eq, %iota3A, %eq3A_9 : vector<16xi32>
    %jit3A = arith.constant 0 : i32
    %broadcast_in_dim3A_11 = vector.broadcast %jit3A : i32 to vector<16xi32>
    %select_n3A = arith.select %eq3A_10, %unique3A_8, %broadcast_in_dim3A_11 : vector<16xi1>, vector<16xi32>
    %reduce_sum3A = arith.constant true
    %reduce_sum3A_12 = vector.broadcast %reduce_sum3A : i1 to vector<16xi1>
    %reduce_sum3A_13 = tpu.scan <sum>, %select_n3A masked %reduce_sum3A_12 : vector<16xi32>, vector<16xi1> -> vector<16xi32>
    %reduce_sum3A_14 = vector.extract %reduce_sum3A_13[15] : i32 from vector<16xi32>
    %sub3A = arith.constant 1 : i32
    %sub3A_15 = arith.subi %sub3A, %reduce_sum3A_14 : i32
    %scan3A_16 = arith.constant 0 : i32
    %scan3A_17 = arith.constant 0 : i32
    %scan3A_18 = arith.constant 4 : i32
    %scan3A_19 = arith.addi %scan3A_17, %scan3A_18 : i32
    %scan3A_20 = arith.constant 1 : i32
    scf.for %scan3A_22 = %scan3A_17 to %scan3A_19 step %scan3A_20  : i32 {
      %mul3A = arith.constant 4 : i32
      %mul3A_23 = arith.muli %mul3A, %arg0 : i32
      %add3A = arith.addi %mul3A_23, %scan3A_22 : i32
      %mul3A_24 = arith.constant 20000 : i32
      %mul3A_25 = arith.muli %add3A, %mul3A_24 : i32
      %mul3A_26 = arith.constant 1258 : i32
      %mul3A_27 = arith.muli %arg1, %mul3A_26 : i32
      "tpu.region"() ({
        %run_scoped3A = tpu.sem_alloc : memref<!tpu.dma_semaphore, #tpu.memory_space<semaphore_mem>>
        %dma_start3A = arith.constant 0 : i32
        %dma_start3A_41 = tpu.memref_slice %arg14[%mul3A_27, %dma_start3A] : memref<20128x64xf32, #tpu.memory_space<vmem_shared>> -> memref<1258x64xf32, #tpu.memory_space<vmem_shared>>
        %dma_start3A_42 = arith.constant 0 : i32
        %dma_start3A_43 = arith.constant 0 : i32
        %dma_start3A_44 = tpu.memref_slice %arg4[%dma_start3A_42, %dma_start3A_43] : memref<1258x64xf32, #tpu.memory_space<hbm>> -> memref<1258x64xf32, #tpu.memory_space<hbm>>
        tpu.enqueue_dma source(%dma_start3A_44 : memref<1258x64xf32, #tpu.memory_space<hbm>>) target(%dma_start3A_41 : memref<1258x64xf32, #tpu.memory_space<vmem_shared>>) target_semaphore(%run_scoped3A : memref<!tpu.dma_semaphore, #tpu.memory_space<semaphore_mem>>)
        %dma_wait3A = arith.constant 0 : i32
        %dma_wait3A_45 = tpu.memref_slice %arg14[%mul3A_27, %dma_wait3A] : memref<20128x64xf32, #tpu.memory_space<vmem_shared>> -> memref<1258x64xf32, #tpu.memory_space<vmem_shared>>
        %dma_wait3A_46 = arith.constant 0 : i32
        %dma_wait3A_47 = arith.constant 0 : i32
        %dma_wait3A_48 = tpu.memref_slice %arg4[%dma_wait3A_46, %dma_wait3A_47] : memref<1258x64xf32, #tpu.memory_space<hbm>> -> memref<1258x64xf32, #tpu.memory_space<hbm>>
        tpu.wait_dma2 semaphore(%run_scoped3A : memref<!tpu.dma_semaphore, #tpu.memory_space<semaphore_mem>>) src(%dma_wait3A_48 : memref<1258x64xf32, #tpu.memory_space<hbm>>) dst(%dma_wait3A_45 : memref<1258x64xf32, #tpu.memory_space<vmem_shared>>)
        tpu.yield
      }) : () -> ()
      %barrier3A = arith.constant 0 : index
      tpu.barrier barrier_id(%barrier3A)
      %scan3A_28 = arith.constant 0 : i32
      %scan3A_29 = arith.constant 0 : i32
      %scan3A_30 = arith.constant 6 : i32
      %scan3A_31 = arith.addi %scan3A_29, %scan3A_30 : i32
      %scan3A_32 = arith.constant 1 : i32
      scf.for %scan3A_41 = %scan3A_29 to %scan3A_31 step %scan3A_32  : i32 {
        %mul3A_42 = arith.constant 30000 : i32
        %mul3A_43 = arith.muli %arg1, %mul3A_42 : i32
        %mul3A_44 = arith.constant 5000 : i32
        %mul3A_45 = arith.muli %scan3A_41, %mul3A_44 : i32
        %add3A_46 = arith.addi %mul3A_43, %mul3A_45 : i32
        "tpu.region"() ({
          %run_scoped3A = tpu.sem_alloc : memref<!tpu.dma_semaphore, #tpu.memory_space<semaphore_mem>>
          %dma_start3A = tpu.memref_slice %arg3[%add3A_46] : memref<480000xi32, #tpu.memory_space<hbm>> -> memref<5000xi32, #tpu.memory_space<hbm>>
          %dma_start3A_162 = tpu.memref_slice %arg3[%add3A_46] : memref<480000xi32, #tpu.memory_space<hbm>> -> memref<5000xi32, #tpu.memory_space<hbm>>
          tpu.enqueue_dma source(%dma_start3A_162 : memref<5000xi32, #tpu.memory_space<hbm>>) target(%arg6 : memref<5000xi32, #tpu.memory_space<vmem>>) target_semaphore(%run_scoped3A : memref<!tpu.dma_semaphore, #tpu.memory_space<semaphore_mem>>)
          %dma_wait3A = tpu.memref_slice %arg3[%add3A_46] : memref<480000xi32, #tpu.memory_space<hbm>> -> memref<5000xi32, #tpu.memory_space<hbm>>
          %dma_wait3A_163 = tpu.memref_slice %arg3[%add3A_46] : memref<480000xi32, #tpu.memory_space<hbm>> -> memref<5000xi32, #tpu.memory_space<hbm>>
          tpu.wait_dma2 semaphore(%run_scoped3A : memref<!tpu.dma_semaphore, #tpu.memory_space<semaphore_mem>>) src(%dma_wait3A_163 : memref<5000xi32, #tpu.memory_space<hbm>>) dst(%arg6 : memref<5000xi32, #tpu.memory_space<vmem>>)
          tpu.yield
        }) : () -> ()
        %scan3A_47 = arith.constant 0 : i32
        %scan3A_48 = arith.constant 0 : i32
        %scan3A_49 = arith.constant 0 : i32
        %scan3A_50 = arith.constant 312 : i32
        %scan3A_51 = arith.addi %scan3A_49, %scan3A_50 : i32
        %scan3A_52 = arith.constant 1 : i32
        %scan3A_53:2 = scf.for %scan3A_162 = %scan3A_49 to %scan3A_51 step %scan3A_52 iter_args(%scan3A_163 = %scan3A_47, %scan3A_164 = %scan3A_48) -> (i32, i32)  : i32 {
          %mul3A_165 = arith.constant 16 : i32
          %mul3A_166 = arith.muli %scan3A_162, %mul3A_165 : i32
          %get3A = arith.index_cast %mul3A_166 : i32 to index
          %get3A_167 = tpu.vector_load %arg6[%get3A] {strides = array<i32>} : memref<5000xi32, #tpu.memory_space<vmem>>, vector<16xi32>,
          %ge3A_168 = vector.broadcast %mul3A_25 : i32 to vector<16xi32>
          %ge3A_169 = arith.cmpi sge, %get3A_167, %ge3A_168 : vector<16xi32>
          %add3A_170 = arith.constant 20000 : i32
          %add3A_171 = arith.addi %mul3A_25, %add3A_170 : i32
          %lt3A = vector.broadcast %add3A_171 : i32 to vector<16xi32>
          %lt3A_172 = arith.cmpi slt, %get3A_167, %lt3A : vector<16xi32>
          %and3A_173 = arith.andi %ge3A_169, %lt3A_172 : vector<16xi1>
          %sub3A_174 = vector.broadcast %mul3A_25 : i32 to vector<16xi32>
          %sub3A_175 = arith.subi %get3A_167, %sub3A_174 : vector<16xi32>
          %jit3A_176 = arith.constant 0 : i32
          %broadcast_in_dim3A_177 = vector.broadcast %jit3A_176 : i32 to vector<16xi32>
          %select_n3A_178 = arith.select %and3A_173, %sub3A_175, %broadcast_in_dim3A_177 : vector<16xi1>, vector<16xi32>
          %jit3A_179 = arith.constant -1 : i32
          %broadcast_in_dim3A_180 = vector.broadcast %jit3A_179 : i32 to vector<16xi32>
          %select_n3A_181 = arith.select %and3A_173, %select_n3A_178, %broadcast_in_dim3A_180 : vector<16xi1>, vector<16xi32>
          %unique3A_182, %unique3A_183 = tpu.scan_count mask(%and3A_173 : vector<16xi1>) value(%select_n3A_181 : vector<16xi32>) : vector<16xi1>, vector<16xi32>
          %gather3A = tpu.vector_load_idx %arg13[%select_n3A_178] : memref<20000xi32, #tpu.memory_space<vmem>>[vector<16xi32>], vector<16xi32>,
          %add3A_184 = arith.addi %gather3A, %unique3A_183 : vector<16xi32>
          %add3A_185 = vector.broadcast %sub3A_15 : i32 to vector<16xi32>
          %add3A_186 = arith.addi %add3A_184, %add3A_185 : vector<16xi32>
          %and3A_187 = arith.andi %unique3A_182, %and3A_173 : vector<16xi1>
          tpu.vector_store_idx %arg13[%select_n3A_178], %add3A_186 masked %and3A_187 : memref<20000xi32, #tpu.memory_space<vmem>>[vector<16xi32>], vector<16xi32>, vector<16xi1>
          %mul3A_188 = arith.constant 16 : i32
          %mul3A_189 = arith.muli %scan3A_162, %mul3A_188 : i32
          %add3A_190 = arith.addi %add3A_46, %mul3A_189 : i32
          %add3A_191 = vector.broadcast %add3A_190 : i32 to vector<16xi32>
          %add3A_192 = arith.addi %add3A_191, %iota3A : vector<16xi32>
          %eq3A_193 = arith.constant 1 : i32
          %eq3A_194 = vector.broadcast %eq3A_193 : i32 to vector<16xi32>
          %eq3A_195 = arith.cmpi eq, %add3A_186, %eq3A_194 : vector<16xi32>
          %and3A_196 = arith.andi %and3A_173, %eq3A_195 : vector<16xi1>
          %jit3A_197 = arith.constant 1 : i32
          %jit3A_198 = arith.constant 0 : i32
          %broadcast_in_dim3A_199 = vector.broadcast %jit3A_197 : i32 to vector<16xi32>
          %broadcast_in_dim3A_200 = vector.broadcast %jit3A_198 : i32 to vector<16xi32>
          %select_n3A_201 = arith.select %and3A_196, %broadcast_in_dim3A_199, %broadcast_in_dim3A_200 : vector<16xi1>, vector<16xi32>
          %broadcast_in_dim3A_202 = arith.constant true
          %broadcast_in_dim3A_203 = vector.broadcast %broadcast_in_dim3A_202 : i1 to vector<16xi1>
          %masked_cumsum3A = tpu.scan <sum>, %select_n3A_201 masked %broadcast_in_dim3A_203 : vector<16xi32>, vector<16xi1> -> vector<16xi32>
          %add3A_204 = vector.broadcast %scan3A_163 : i32 to vector<16xi32>
          %add3A_205 = arith.addi %add3A_204, %masked_cumsum3A : vector<16xi32>
          %sub3A_206 = arith.constant 1 : i32
          %sub3A_207 = vector.broadcast %sub3A_206 : i32 to vector<16xi32>
          %sub3A_208 = arith.subi %add3A_205, %sub3A_207 : vector<16xi32>
          %shift_right_logical3A_209 = arith.constant 7 : i32
          %shift_right_logical3A_210 = vector.broadcast %shift_right_logical3A_209 : i32 to vector<16xi32>
          %shift_right_logical3A_211 = arith.shrui %sub3A_208, %shift_right_logical3A_210 : vector<16xi32>
          %and3A_212 = arith.constant 127 : i32
          %and3A_213 = vector.broadcast %and3A_212 : i32 to vector<16xi32>
          %and3A_214 = arith.andi %sub3A_208, %and3A_213 : vector<16xi32>
          tpu.vector_store_idx %arg8[%shift_right_logical3A_211, %and3A_214], %select_n3A_178 masked %and3A_196 : memref<48x128xi32, #tpu.memory_space<vmem>>[vector<16xi32>, vector<16xi32>], vector<16xi32>, vector<16xi1>
          tpu.vector_store_idx %arg7[%shift_right_logical3A_211, %and3A_214], %add3A_192 masked %and3A_196 : memref<48x128xi32, #tpu.memory_space<vmem>>[vector<16xi32>, vector<16xi32>], vector<16xi32>, vector<16xi1>
          %gt3A = arith.constant 1 : i32
          %gt3A_215 = vector.broadcast %gt3A : i32 to vector<16xi32>
          %gt3A_216 = arith.cmpi sgt, %add3A_186, %gt3A_215 : vector<16xi32>
          %and3A_217 = arith.andi %and3A_173, %gt3A_216 : vector<16xi1>
          %jit3A_218 = arith.constant 1 : i32
          %jit3A_219 = arith.constant 0 : i32
          %broadcast_in_dim3A_220 = vector.broadcast %jit3A_218 : i32 to vector<16xi32>
          %broadcast_in_dim3A_221 = vector.broadcast %jit3A_219 : i32 to vector<16xi32>
          %select_n3A_222 = arith.select %and3A_217, %broadcast_in_dim3A_220, %broadcast_in_dim3A_221 : vector<16xi1>, vector<16xi32>
          %broadcast_in_dim3A_223 = arith.constant true
          %broadcast_in_dim3A_224 = vector.broadcast %broadcast_in_dim3A_223 : i1 to vector<16xi1>
          %masked_cumsum3A_225 = tpu.scan <sum>, %select_n3A_222 masked %broadcast_in_dim3A_224 : vector<16xi32>, vector<16xi1> -> vector<16xi32>
          %add3A_226 = vector.broadcast %scan3A_164 : i32 to vector<16xi32>
          %add3A_227 = arith.addi %add3A_226, %masked_cumsum3A_225 : vector<16xi32>
          %sub3A_228 = arith.constant 1 : i32
          %sub3A_229 = vector.broadcast %sub3A_228 : i32 to vector<16xi32>
          %sub3A_230 = arith.subi %add3A_227, %sub3A_229 : vector<16xi32>
          %shift_right_logical3A_231 = arith.constant 7 : i32
          %shift_right_logical3A_232 = vector.broadcast %shift_right_logical3A_231 : i32 to vector<16xi32>
          %shift_right_logical3A_233 = arith.shrui %sub3A_230, %shift_right_logical3A_232 : vector<16xi32>
          %add3A_234 = arith.constant 40 : i32
          %add3A_235 = vector.broadcast %add3A_234 : i32 to vector<16xi32>
          %add3A_236 = arith.addi %add3A_235, %shift_right_logical3A_233 : vector<16xi32>
          %and3A_237 = arith.constant 127 : i32
          %and3A_238 = vector.broadcast %and3A_237 : i32 to vector<16xi32>
          %and3A_239 = arith.andi %sub3A_230, %and3A_238 : vector<16xi32>
          tpu.vector_store_idx %arg8[%add3A_236, %and3A_239], %select_n3A_178 masked %and3A_217 : memref<48x128xi32, #tpu.memory_space<vmem>>[vector<16xi32>, vector<16xi32>], vector<16xi32>, vector<16xi1>
          tpu.vector_store_idx %arg7[%add3A_236, %and3A_239], %add3A_192 masked %and3A_217 : memref<48x128xi32, #tpu.memory_space<vmem>>[vector<16xi32>, vector<16xi32>], vector<16xi32>, vector<16xi1>
          %jit3A_240 = arith.constant 1 : i32
          %jit3A_241 = arith.constant 0 : i32
          %broadcast_in_dim3A_242 = vector.broadcast %jit3A_240 : i32 to vector<16xi32>
          %broadcast_in_dim3A_243 = vector.broadcast %jit3A_241 : i32 to vector<16xi32>
          %select_n3A_244 = arith.select %and3A_196, %broadcast_in_dim3A_242, %broadcast_in_dim3A_243 : vector<16xi1>, vector<16xi32>
          %reduce_sum3A_245 = arith.constant true
          %reduce_sum3A_246 = vector.broadcast %reduce_sum3A_245 : i1 to vector<16xi1>
          %reduce_sum3A_247 = tpu.scan <sum>, %select_n3A_244 masked %reduce_sum3A_246 : vector<16xi32>, vector<16xi1> -> vector<16xi32>
          %reduce_sum3A_248 = vector.extract %reduce_sum3A_247[15] : i32 from vector<16xi32>
          %add3A_249 = arith.addi %scan3A_163, %reduce_sum3A_248 : i32
          %jit3A_250 = arith.constant 1 : i32
          %jit3A_251 = arith.constant 0 : i32
          %broadcast_in_dim3A_252 = vector.broadcast %jit3A_250 : i32 to vector<16xi32>
          %broadcast_in_dim3A_253 = vector.broadcast %jit3A_251 : i32 to vector<16xi32>
          %select_n3A_254 = arith.select %and3A_217, %broadcast_in_dim3A_252, %broadcast_in_dim3A_253 : vector<16xi1>, vector<16xi32>
          %reduce_sum3A_255 = arith.constant true
          %reduce_sum3A_256 = vector.broadcast %reduce_sum3A_255 : i1 to vector<16xi1>
          %reduce_sum3A_257 = tpu.scan <sum>, %select_n3A_254 masked %reduce_sum3A_256 : vector<16xi32>, vector<16xi1> -> vector<16xi32>
          %reduce_sum3A_258 = vector.extract %reduce_sum3A_257[15] : i32 from vector<16xi32>
          %add3A_259 = arith.addi %scan3A_164, %reduce_sum3A_258 : i32
          %gt3A_260 = arith.constant 1008 : i32
          %gt3A_261 = arith.cmpi sgt, %add3A_259, %gt3A_260 : i32
          %convert_element_type3A = arith.extui %gt3A_261 : i1 to i32
          %cond3A = arith.constant 0 : i32
          %cond3A_262 = arith.cmpi ne, %convert_element_type3A, %cond3A : i32
          %cond3A_263 = scf.if %cond3A_262 -> (i32) {
            %add3A_264 = arith.constant 15 : i32
            %add3A_265 = arith.addi %add3A_259, %add3A_264 : i32
            %shift_right_logical3A_266 = arith.constant 4 : i32
            %shift_right_logical3A_267 = arith.shrui %add3A_265, %shift_right_logical3A_266 : i32
            %while3A_268 = arith.constant 0 : i32
            %while3A_269 = arith.constant 0 : i32
            %while3A_270 = arith.subi %shift_right_logical3A_267, %while3A_269 : i32
            %while3A_271 = arith.addi %while3A_269, %while3A_270 : i32
            %while3A_272 = arith.constant 1 : i32
            %while3A_273 = arith.divsi %while3A_270, %while3A_272 : i32
            %while3A_274 = arith.muli %while3A_273, %while3A_272 : i32
            %while3A_275 = arith.addi %while3A_269, %while3A_274 : i32
            %while3A_276 = arith.constant 1 : i32
            scf.for %while3A_279 = %while3A_269 to %while3A_275 step %while3A_276  : i32 {
              %shift_right_logical3A_280 = arith.constant 3 : i32
              %shift_right_logical3A_281 = arith.shrui %while3A_279, %shift_right_logical3A_280 : i32
              %add3A_282 = arith.constant 40 : i32
              %add3A_283 = arith.addi %add3A_282, %shift_right_logical3A_281 : i32
              %and3A_284 = arith.constant 7 : i32
              %and3A_285 = arith.andi %while3A_279, %and3A_284 : i32
              %mul3A_286 = arith.constant 16 : i32
              %mul3A_287 = arith.muli %and3A_285, %mul3A_286 : i32
              %get3A_288 = arith.index_cast %add3A_283 : i32 to index
              %get3A_289 = arith.index_cast %mul3A_287 : i32 to index
              %get3A_290 = tpu.vector_load %arg8[%get3A_288, %get3A_289] {strides = array<i32>} : memref<48x128xi32, #tpu.memory_space<vmem>>, vector<16xi32>,
              %get3A_291 = arith.index_cast %add3A_283 : i32 to index
              %get3A_292 = arith.index_cast %mul3A_287 : i32 to index
              %get3A_293 = tpu.vector_load %arg7[%get3A_291, %get3A_292] {strides = array<i32>} : memref<48x128xi32, #tpu.memory_space<vmem>>, vector<16xi32>,
              %mul3A_294 = arith.constant 16 : i32
              %mul3A_295 = arith.muli %while3A_279, %mul3A_294 : i32
              %add3A_296 = vector.broadcast %mul3A_295 : i32 to vector<16xi32>
              %add3A_297 = arith.addi %add3A_296, %iota3A : vector<16xi32>
              %lt3A_298 = vector.broadcast %add3A_259 : i32 to vector<16xi32>
              %lt3A_299 = arith.cmpi slt, %add3A_297, %lt3A_298 : vector<16xi32>
              %jit3A_300 = arith.constant -1 : i32
              %broadcast_in_dim3A_301 = vector.broadcast %jit3A_300 : i32 to vector<16xi32>
              %select_n3A_302 = arith.select %lt3A_299, %get3A_290, %broadcast_in_dim3A_301 : vector<16xi1>, vector<16xi32>
              %unique3A_303, %unique3A_304 = tpu.scan_count mask(%lt3A_299 : vector<16xi1>) value(%select_n3A_302 : vector<16xi32>) : vector<16xi1>, vector<16xi32>
              %add3A_305 = vector.broadcast %sub3A_15 : i32 to vector<16xi32>
              %add3A_306 = arith.addi %unique3A_304, %add3A_305 : vector<16xi32>
              %jit3A_307 = arith.constant 0 : i32
              %broadcast_in_dim3A_308 = vector.broadcast %jit3A_307 : i32 to vector<16xi32>
              %select_n3A_309 = arith.select %lt3A_299, %add3A_306, %broadcast_in_dim3A_308 : vector<16xi1>, vector<16xi32>
              %reduce_max3A = arith.constant true
              %reduce_max3A_310 = vector.broadcast %reduce_max3A : i1 to vector<16xi1>
              %reduce_max3A_311 = arith.constant -2147483648 : i32
              %reduce_max3A_312 = vector.broadcast %reduce_max3A_311 : i32 to vector<16xi32>
              %reduce_max3A_313 = arith.xori %select_n3A_309, %reduce_max3A_312 : vector<16xi32>
              %reduce_max3A_314 = tpu.scan <max>, %reduce_max3A_313 masked %reduce_max3A_310 : vector<16xi32>, vector<16xi1> -> vector<16xi32>
              %reduce_max3A_315 = arith.xori %reduce_max3A_314, %reduce_max3A_312 : vector<16xi32>
              %reduce_max3A_316 = vector.extract %reduce_max3A_315[15] : i32 from vector<16xi32>
              %while3A_317 = arith.constant 0 : i32
              %while3A_318 = arith.constant 0 : i32
              %while3A_319 = arith.subi %reduce_max3A_316, %while3A_318 : i32
              %while3A_320 = arith.addi %while3A_318, %while3A_319 : i32
              %while3A_321 = arith.constant 1 : i32
              %while3A_322 = arith.divsi %while3A_319, %while3A_321 : i32
              %while3A_323 = arith.muli %while3A_322, %while3A_321 : i32
              %while3A_324 = arith.addi %while3A_318, %while3A_323 : i32
              %while3A_325 = arith.constant 1 : i32
              scf.for %while3A_327 = %while3A_318 to %while3A_324 step %while3A_325  : i32 {
                %add3A_328 = arith.constant 1 : i32
                %add3A_329 = arith.addi %while3A_327, %add3A_328 : i32
                %eq3A_330 = vector.broadcast %add3A_329 : i32 to vector<16xi32>
                %eq3A_331 = arith.cmpi eq, %add3A_306, %eq3A_330 : vector<16xi32>
                %and3A_332 = arith.andi %lt3A_299, %eq3A_331 : vector<16xi1>
                %select_n3A_333 = arith.select %and3A_332, %get3A_293, %iota3A : vector<16xi1>, vector<16xi32>
                %swap3A = arith.constant 0 : index
                %swap3A_334 = tpu.vector_load %arg11[%swap3A] {strides = array<i32>} : memref<16xi32, #tpu.memory_space<vmem>>, vector<16xi32>,
                tpu.vector_store %arg11[%swap3A], %select_n3A_333 {strides = array<i32>} : memref<16xi32, #tpu.memory_space<vmem>>, vector<16xi32>,
                %add3A_335 = arith.constant 20000 : i32
                %add3A_336 = vector.broadcast %add3A_335 : i32 to vector<16xi32>
                %add3A_337 = arith.addi %add3A_336, %iota3A : vector<16xi32>
                %select_n3A_338 = arith.select %and3A_332, %get3A_290, %add3A_337 : vector<16xi1>, vector<16xi32>
                %swap3A_339 = arith.constant 0 : index
                %swap3A_340 = tpu.vector_load %arg12[%swap3A_339] {strides = array<i32>} : memref<16xi32, #tpu.memory_space<vmem>>, vector<16xi32>,
                tpu.vector_store %arg12[%swap3A_339], %select_n3A_338 {strides = array<i32>} : memref<16xi32, #tpu.memory_space<vmem>>, vector<16xi32>,
                %dma_start3A = arith.constant 0 : i32
                %dma_start3A_341 = arith.constant 0 : i32
                %dma_start3A_342 = tpu.memref_slice %arg2[%dma_start3A, %dma_start3A_341] : memref<480000x64xf32, #tpu.memory_space<hbm>> -> memref<480000x64xf32, #tpu.memory_space<hbm>>
                tpu.enqueue_indirect_dma source(%dma_start3A_342 : memref<480000x64xf32, #tpu.memory_space<hbm>>) target(%arg10 : memref<16x64xf32, #tpu.memory_space<vmem>>) offsets(%arg11 : memref<16xi32, #tpu.memory_space<vmem>>) semaphore(%arg15 : memref<!tpu.dma_semaphore, #tpu.memory_space<semaphore_mem>>)
                %dma_wait3A = arith.constant 0 : i32
                %dma_wait3A_343 = arith.constant 0 : i32
                %dma_wait3A_344 = tpu.memref_slice %arg2[%dma_wait3A, %dma_wait3A_343] : memref<480000x64xf32, #tpu.memory_space<hbm>> -> memref<480000x64xf32, #tpu.memory_space<hbm>>
                tpu.wait_indirect_dma semaphore(%arg15 : memref<!tpu.dma_semaphore, #tpu.memory_space<semaphore_mem>>) src(%dma_wait3A_344 : memref<480000x64xf32, #tpu.memory_space<hbm>>) dst(%arg10 : memref<16x64xf32, #tpu.memory_space<vmem>>)
                "tpu.region"() ({
                  %run_scoped3A = tpu.sem_alloc : memref<!tpu.dma_semaphore, #tpu.memory_space<semaphore_mem>>
                  %dma_start3A_345 = arith.constant 0 : i32
                  %dma_start3A_346 = arith.constant 0 : i32
                  %dma_start3A_347 = tpu.memref_slice %arg14[%dma_start3A_345, %dma_start3A_346] : memref<20128x64xf32, #tpu.memory_space<vmem_shared>> -> memref<20128x64xf32, #tpu.memory_space<vmem_shared>>
                  tpu.enqueue_indirect_dma source(%arg10 : memref<16x64xf32, #tpu.memory_space<vmem>>) target(%dma_start3A_347 : memref<20128x64xf32, #tpu.memory_space<vmem_shared>>) offsets(%arg12 : memref<16xi32, #tpu.memory_space<vmem>>) semaphore(%run_scoped3A : memref<!tpu.dma_semaphore, #tpu.memory_space<semaphore_mem>>) {add = true}
                  %dma_wait3A_348 = arith.constant 0 : i32
                  %dma_wait3A_349 = arith.constant 0 : i32
                  %dma_wait3A_350 = tpu.memref_slice %arg14[%dma_wait3A_348, %dma_wait3A_349] : memref<20128x64xf32, #tpu.memory_space<vmem_shared>> -> memref<20128x64xf32, #tpu.memory_space<vmem_shared>>
                  tpu.wait_indirect_dma semaphore(%run_scoped3A : memref<!tpu.dma_semaphore, #tpu.memory_space<semaphore_mem>>) src(%arg10 : memref<16x64xf32, #tpu.memory_space<vmem>>) dst(%dma_wait3A_350 : memref<20128x64xf32, #tpu.memory_space<vmem_shared>>)
                  tpu.yield
                }) : () -> ()
              }
              %while3A_326 = arith.constant 1 : i32
              scf.for %while3A_327 = %while3A_324 to %while3A_320 step %while3A_326  : i32 {
                %add3A_328 = arith.constant 1 : i32
                %add3A_329 = arith.addi %while3A_327, %add3A_328 : i32
                %eq3A_330 = vector.broadcast %add3A_329 : i32 to vector<16xi32>
                %eq3A_331 = arith.cmpi eq, %add3A_306, %eq3A_330 : vector<16xi32>
                %and3A_332 = arith.andi %lt3A_299, %eq3A_331 : vector<16xi1>
                %select_n3A_333 = arith.select %and3A_332, %get3A_293, %iota3A : vector<16xi1>, vector<16xi32>
                %swap3A = arith.constant 0 : index
                %swap3A_334 = tpu.vector_load %arg11[%swap3A] {strides = array<i32>} : memref<16xi32, #tpu.memory_space<vmem>>, vector<16xi32>,
                tpu.vector_store %arg11[%swap3A], %select_n3A_333 {strides = array<i32>} : memref<16xi32, #tpu.memory_space<vmem>>, vector<16xi32>,
                %add3A_335 = arith.constant 20000 : i32
                %add3A_336 = vector.broadcast %add3A_335 : i32 to vector<16xi32>
                %add3A_337 = arith.addi %add3A_336, %iota3A : vector<16xi32>
                %select_n3A_338 = arith.select %and3A_332, %get3A_290, %add3A_337 : vector<16xi1>, vector<16xi32>
                %swap3A_339 = arith.constant 0 : index
                %swap3A_340 = tpu.vector_load %arg12[%swap3A_339] {strides = array<i32>} : memref<16xi32, #tpu.memory_space<vmem>>, vector<16xi32>,
                tpu.vector_store %arg12[%swap3A_339], %select_n3A_338 {strides = array<i32>} : memref<16xi32, #tpu.memory_space<vmem>>, vector<16xi32>,
                %dma_start3A = arith.constant 0 : i32
                %dma_start3A_341 = arith.constant 0 : i32
                %dma_start3A_342 = tpu.memref_slice %arg2[%dma_start3A, %dma_start3A_341] : memref<480000x64xf32, #tpu.memory_space<hbm>> -> memref<480000x64xf32, #tpu.memory_space<hbm>>
                tpu.enqueue_indirect_dma source(%dma_start3A_342 : memref<480000x64xf32, #tpu.memory_space<hbm>>) target(%arg10 : memref<16x64xf32, #tpu.memory_space<vmem>>) offsets(%arg11 : memref<16xi32, #tpu.memory_space<vmem>>) semaphore(%arg15 : memref<!tpu.dma_semaphore, #tpu.memory_space<semaphore_mem>>)
                %dma_wait3A = arith.constant 0 : i32
                %dma_wait3A_343 = arith.constant 0 : i32
                %dma_wait3A_344 = tpu.memref_slice %arg2[%dma_wait3A, %dma_wait3A_343] : memref<480000x64xf32, #tpu.memory_space<hbm>> -> memref<480000x64xf32, #tpu.memory_space<hbm>>
                tpu.wait_indirect_dma semaphore(%arg15 : memref<!tpu.dma_semaphore, #tpu.memory_space<semaphore_mem>>) src(%dma_wait3A_344 : memref<480000x64xf32, #tpu.memory_space<hbm>>) dst(%arg10 : memref<16x64xf32, #tpu.memory_space<vmem>>)
                "tpu.region"() ({
                  %run_scoped3A = tpu.sem_alloc : memref<!tpu.dma_semaphore, #tpu.memory_space<semaphore_mem>>
                  %dma_start3A_345 = arith.constant 0 : i32
                  %dma_start3A_346 = arith.constant 0 : i32
                  %dma_start3A_347 = tpu.memref_slice %arg14[%dma_start3A_345, %dma_start3A_346] : memref<20128x64xf32, #tpu.memory_space<vmem_shared>> -> memref<20128x64xf32, #tpu.memory_space<vmem_shared>>
                  tpu.enqueue_indirect_dma source(%arg10 : memref<16x64xf32, #tpu.memory_space<vmem>>) target(%dma_start3A_347 : memref<20128x64xf32, #tpu.memory_space<vmem_shared>>) offsets(%arg12 : memref<16xi32, #tpu.memory_space<vmem>>) semaphore(%run_scoped3A : memref<!tpu.dma_semaphore, #tpu.memory_space<semaphore_mem>>) {add = true}
                  %dma_wait3A_348 = arith.constant 0 : i32
                  %dma_wait3A_349 = arith.constant 0 : i32
                  %dma_wait3A_350 = tpu.memref_slice %arg14[%dma_wait3A_348, %dma_wait3A_349] : memref<20128x64xf32, #tpu.memory_space<vmem_shared>> -> memref<20128x64xf32, #tpu.memory_space<vmem_shared>>
                  tpu.wait_indirect_dma semaphore(%run_scoped3A : memref<!tpu.dma_semaphore, #tpu.memory_space<semaphore_mem>>) src(%arg10 : memref<16x64xf32, #tpu.memory_space<vmem>>) dst(%dma_wait3A_350 : memref<20128x64xf32, #tpu.memory_space<vmem_shared>>)
                  tpu.yield
                }) : () -> ()
              }
            }
            %while3A_277 = arith.constant 1 : i32
            scf.for %while3A_279 = %while3A_275 to %while3A_271 step %while3A_277  : i32 {
              %shift_right_logical3A_280 = arith.constant 3 : i32
              %shift_right_logical3A_281 = arith.shrui %while3A_279, %shift_right_logical3A_280 : i32
              %add3A_282 = arith.constant 40 : i32
              %add3A_283 = arith.addi %add3A_282, %shift_right_logical3A_281 : i32
              %and3A_284 = arith.constant 7 : i32
              %and3A_285 = arith.andi %while3A_279, %and3A_284 : i32
              %mul3A_286 = arith.constant 16 : i32
              %mul3A_287 = arith.muli %and3A_285, %mul3A_286 : i32
              %get3A_288 = arith.index_cast %add3A_283 : i32 to index
              %get3A_289 = arith.index_cast %mul3A_287 : i32 to index
              %get3A_290 = tpu.vector_load %arg8[%get3A_288, %get3A_289] {strides = array<i32>} : memref<48x128xi32, #tpu.memory_space<vmem>>, vector<16xi32>,
              %get3A_291 = arith.index_cast %add3A_283 : i32 to index
              %get3A_292 = arith.index_cast %mul3A_287 : i32 to index
              %get3A_293 = tpu.vector_load %arg7[%get3A_291, %get3A_292] {strides = array<i32>} : memref<48x128xi32, #tpu.memory_space<vmem>>, vector<16xi32>,
              %mul3A_294 = arith.constant 16 : i32
              %mul3A_295 = arith.muli %while3A_279, %mul3A_294 : i32
              %add3A_296 = vector.broadcast %mul3A_295 : i32 to vector<16xi32>
              %add3A_297 = arith.addi %add3A_296, %iota3A : vector<16xi32>
              %lt3A_298 = vector.broadcast %add3A_259 : i32 to vector<16xi32>
              %lt3A_299 = arith.cmpi slt, %add3A_297, %lt3A_298 : vector<16xi32>
              %jit3A_300 = arith.constant -1 : i32
              %broadcast_in_dim3A_301 = vector.broadcast %jit3A_300 : i32 to vector<16xi32>
              %select_n3A_302 = arith.select %lt3A_299, %get3A_290, %broadcast_in_dim3A_301 : vector<16xi1>, vector<16xi32>
              %unique3A_303, %unique3A_304 = tpu.scan_count mask(%lt3A_299 : vector<16xi1>) value(%select_n3A_302 : vector<16xi32>) : vector<16xi1>, vector<16xi32>
              %add3A_305 = vector.broadcast %sub3A_15 : i32 to vector<16xi32>
              %add3A_306 = arith.addi %unique3A_304, %add3A_305 : vector<16xi32>
              %jit3A_307 = arith.constant 0 : i32
              %broadcast_in_dim3A_308 = vector.broadcast %jit3A_307 : i32 to vector<16xi32>
              %select_n3A_309 = arith.select %lt3A_299, %add3A_306, %broadcast_in_dim3A_308 : vector<16xi1>, vector<16xi32>
              %reduce_max3A = arith.constant true
              %reduce_max3A_310 = vector.broadcast %reduce_max3A : i1 to vector<16xi1>
              %reduce_max3A_311 = arith.constant -2147483648 : i32
              %reduce_max3A_312 = vector.broadcast %reduce_max3A_311 : i32 to vector<16xi32>
              %reduce_max3A_313 = arith.xori %select_n3A_309, %reduce_max3A_312 : vector<16xi32>
              %reduce_max3A_314 = tpu.scan <max>, %reduce_max3A_313 masked %reduce_max3A_310 : vector<16xi32>, vector<16xi1> -> vector<16xi32>
              %reduce_max3A_315 = arith.xori %reduce_max3A_314, %reduce_max3A_312 : vector<16xi32>
              %reduce_max3A_316 = vector.extract %reduce_max3A_315[15] : i32 from vector<16xi32>
              %while3A_317 = arith.constant 0 : i32
              %while3A_318 = arith.constant 0 : i32
              %while3A_319 = arith.subi %reduce_max3A_316, %while3A_318 : i32
              %while3A_320 = arith.addi %while3A_318, %while3A_319 : i32
              %while3A_321 = arith.constant 1 : i32
              %while3A_322 = arith.divsi %while3A_319, %while3A_321 : i32
              %while3A_323 = arith.muli %while3A_322, %while3A_321 : i32
              %while3A_324 = arith.addi %while3A_318, %while3A_323 : i32
              %while3A_325 = arith.constant 1 : i32
              scf.for %while3A_327 = %while3A_318 to %while3A_324 step %while3A_325  : i32 {
                %add3A_328 = arith.constant 1 : i32
                %add3A_329 = arith.addi %while3A_327, %add3A_328 : i32
                %eq3A_330 = vector.broadcast %add3A_329 : i32 to vector<16xi32>
                %eq3A_331 = arith.cmpi eq, %add3A_306, %eq3A_330 : vector<16xi32>
                %and3A_332 = arith.andi %lt3A_299, %eq3A_331 : vector<16xi1>
                %select_n3A_333 = arith.select %and3A_332, %get3A_293, %iota3A : vector<16xi1>, vector<16xi32>
                %swap3A = arith.constant 0 : index
                %swap3A_334 = tpu.vector_load %arg11[%swap3A] {strides = array<i32>} : memref<16xi32, #tpu.memory_space<vmem>>, vector<16xi32>,
                tpu.vector_store %arg11[%swap3A], %select_n3A_333 {strides = array<i32>} : memref<16xi32, #tpu.memory_space<vmem>>, vector<16xi32>,
                %add3A_335 = arith.constant 20000 : i32
                %add3A_336 = vector.broadcast %add3A_335 : i32 to vector<16xi32>
                %add3A_337 = arith.addi %add3A_336, %iota3A : vector<16xi32>
                %select_n3A_338 = arith.select %and3A_332, %get3A_290, %add3A_337 : vector<16xi1>, vector<16xi32>
                %swap3A_339 = arith.constant 0 : index
                %swap3A_340 = tpu.vector_load %arg12[%swap3A_339] {strides = array<i32>} : memref<16xi32, #tpu.memory_space<vmem>>, vector<16xi32>,
                tpu.vector_store %arg12[%swap3A_339], %select_n3A_338 {strides = array<i32>} : memref<16xi32, #tpu.memory_space<vmem>>, vector<16xi32>,
                %dma_start3A = arith.constant 0 : i32
                %dma_start3A_341 = arith.constant 0 : i32
                %dma_start3A_342 = tpu.memref_slice %arg2[%dma_start3A, %dma_start3A_341] : memref<480000x64xf32, #tpu.memory_space<hbm>> -> memref<480000x64xf32, #tpu.memory_space<hbm>>
                tpu.enqueue_indirect_dma source(%dma_start3A_342 : memref<480000x64xf32, #tpu.memory_space<hbm>>) target(%arg10 : memref<16x64xf32, #tpu.memory_space<vmem>>) offsets(%arg11 : memref<16xi32, #tpu.memory_space<vmem>>) semaphore(%arg15 : memref<!tpu.dma_semaphore, #tpu.memory_space<semaphore_mem>>)
                %dma_wait3A = arith.constant 0 : i32
                %dma_wait3A_343 = arith.constant 0 : i32
                %dma_wait3A_344 = tpu.memref_slice %arg2[%dma_wait3A, %dma_wait3A_343] : memref<480000x64xf32, #tpu.memory_space<hbm>> -> memref<480000x64xf32, #tpu.memory_space<hbm>>
                tpu.wait_indirect_dma semaphore(%arg15 : memref<!tpu.dma_semaphore, #tpu.memory_space<semaphore_mem>>) src(%dma_wait3A_344 : memref<480000x64xf32, #tpu.memory_space<hbm>>) dst(%arg10 : memref<16x64xf32, #tpu.memory_space<vmem>>)
                "tpu.region"() ({
                  %run_scoped3A = tpu.sem_alloc : memref<!tpu.dma_semaphore, #tpu.memory_space<semaphore_mem>>
                  %dma_start3A_345 = arith.constant 0 : i32
                  %dma_start3A_346 = arith.constant 0 : i32
                  %dma_start3A_347 = tpu.memref_slice %arg14[%dma_start3A_345, %dma_start3A_346] : memref<20128x64xf32, #tpu.memory_space<vmem_shared>> -> memref<20128x64xf32, #tpu.memory_space<vmem_shared>>
                  tpu.enqueue_indirect_dma source(%arg10 : memref<16x64xf32, #tpu.memory_space<vmem>>) target(%dma_start3A_347 : memref<20128x64xf32, #tpu.memory_space<vmem_shared>>) offsets(%arg12 : memref<16xi32, #tpu.memory_space<vmem>>) semaphore(%run_scoped3A : memref<!tpu.dma_semaphore, #tpu.memory_space<semaphore_mem>>) {add = true}
                  %dma_wait3A_348 = arith.constant 0 : i32
                  %dma_wait3A_349 = arith.constant 0 : i32
                  %dma_wait3A_350 = tpu.memref_slice %arg14[%dma_wait3A_348, %dma_wait3A_349] : memref<20128x64xf32, #tpu.memory_space<vmem_shared>> -> memref<20128x64xf32, #tpu.memory_space<vmem_shared>>
                  tpu.wait_indirect_dma semaphore(%run_scoped3A : memref<!tpu.dma_semaphore, #tpu.memory_space<semaphore_mem>>) src(%arg10 : memref<16x64xf32, #tpu.memory_space<vmem>>) dst(%dma_wait3A_350 : memref<20128x64xf32, #tpu.memory_space<vmem_shared>>)
                  tpu.yield
                }) : () -> ()
              }
              %while3A_326 = arith.constant 1 : i32
              scf.for %while3A_327 = %while3A_324 to %while3A_320 step %while3A_326  : i32 {
                %add3A_328 = arith.constant 1 : i32
                %add3A_329 = arith.addi %while3A_327, %add3A_328 : i32
                %eq3A_330 = vector.broadcast %add3A_329 : i32 to vector<16xi32>
                %eq3A_331 = arith.cmpi eq, %add3A_306, %eq3A_330 : vector<16xi32>
                %and3A_332 = arith.andi %lt3A_299, %eq3A_331 : vector<16xi1>
                %select_n3A_333 = arith.select %and3A_332, %get3A_293, %iota3A : vector<16xi1>, vector<16xi32>
                %swap3A = arith.constant 0 : index
                %swap3A_334 = tpu.vector_load %arg11[%swap3A] {strides = array<i32>} : memref<16xi32, #tpu.memory_space<vmem>>, vector<16xi32>,
                tpu.vector_store %arg11[%swap3A], %select_n3A_333 {strides = array<i32>} : memref<16xi32, #tpu.memory_space<vmem>>, vector<16xi32>,
                %add3A_335 = arith.constant 20000 : i32
                %add3A_336 = vector.broadcast %add3A_335 : i32 to vector<16xi32>
                %add3A_337 = arith.addi %add3A_336, %iota3A : vector<16xi32>
                %select_n3A_338 = arith.select %and3A_332, %get3A_290, %add3A_337 : vector<16xi1>, vector<16xi32>
                %swap3A_339 = arith.constant 0 : index
                %swap3A_340 = tpu.vector_load %arg12[%swap3A_339] {strides = array<i32>} : memref<16xi32, #tpu.memory_space<vmem>>, vector<16xi32>,
                tpu.vector_store %arg12[%swap3A_339], %select_n3A_338 {strides = array<i32>} : memref<16xi32, #tpu.memory_space<vmem>>, vector<16xi32>,
                %dma_start3A = arith.constant 0 : i32
                %dma_start3A_341 = arith.constant 0 : i32
                %dma_start3A_342 = tpu.memref_slice %arg2[%dma_start3A, %dma_start3A_341] : memref<480000x64xf32, #tpu.memory_space<hbm>> -> memref<480000x64xf32, #tpu.memory_space<hbm>>
                tpu.enqueue_indirect_dma source(%dma_start3A_342 : memref<480000x64xf32, #tpu.memory_space<hbm>>) target(%arg10 : memref<16x64xf32, #tpu.memory_space<vmem>>) offsets(%arg11 : memref<16xi32, #tpu.memory_space<vmem>>) semaphore(%arg15 : memref<!tpu.dma_semaphore, #tpu.memory_space<semaphore_mem>>)
                %dma_wait3A = arith.constant 0 : i32
                %dma_wait3A_343 = arith.constant 0 : i32
                %dma_wait3A_344 = tpu.memref_slice %arg2[%dma_wait3A, %dma_wait3A_343] : memref<480000x64xf32, #tpu.memory_space<hbm>> -> memref<480000x64xf32, #tpu.memory_space<hbm>>
                tpu.wait_indirect_dma semaphore(%arg15 : memref<!tpu.dma_semaphore, #tpu.memory_space<semaphore_mem>>) src(%dma_wait3A_344 : memref<480000x64xf32, #tpu.memory_space<hbm>>) dst(%arg10 : memref<16x64xf32, #tpu.memory_space<vmem>>)
                "tpu.region"() ({
                  %run_scoped3A = tpu.sem_alloc : memref<!tpu.dma_semaphore, #tpu.memory_space<semaphore_mem>>
                  %dma_start3A_345 = arith.constant 0 : i32
                  %dma_start3A_346 = arith.constant 0 : i32
                  %dma_start3A_347 = tpu.memref_slice %arg14[%dma_start3A_345, %dma_start3A_346] : memref<20128x64xf32, #tpu.memory_space<vmem_shared>> -> memref<20128x64xf32, #tpu.memory_space<vmem_shared>>
                  tpu.enqueue_indirect_dma source(%arg10 : memref<16x64xf32, #tpu.memory_space<vmem>>) target(%dma_start3A_347 : memref<20128x64xf32, #tpu.memory_space<vmem_shared>>) offsets(%arg12 : memref<16xi32, #tpu.memory_space<vmem>>) semaphore(%run_scoped3A : memref<!tpu.dma_semaphore, #tpu.memory_space<semaphore_mem>>) {add = true}
                  %dma_wait3A_348 = arith.constant 0 : i32
                  %dma_wait3A_349 = arith.constant 0 : i32
                  %dma_wait3A_350 = tpu.memref_slice %arg14[%dma_wait3A_348, %dma_wait3A_349] : memref<20128x64xf32, #tpu.memory_space<vmem_shared>> -> memref<20128x64xf32, #tpu.memory_space<vmem_shared>>
                  tpu.wait_indirect_dma semaphore(%run_scoped3A : memref<!tpu.dma_semaphore, #tpu.memory_space<semaphore_mem>>) src(%arg10 : memref<16x64xf32, #tpu.memory_space<vmem>>) dst(%dma_wait3A_350 : memref<20128x64xf32, #tpu.memory_space<vmem_shared>>)
                  tpu.yield
                }) : () -> ()
              }
            }
            %cond3A_278 = arith.constant 0 : i32
            scf.yield %cond3A_278 : i32
          } else {
            scf.yield %add3A_259 : i32
          }
          scf.yield %add3A_249, %cond3A_263 : i32, i32
        }
        %scan3A_54 = arith.constant 312 : i32
        %shift_right_logical3A = arith.constant 7 : i32
        %shift_right_logical3A_55 = arith.shrui %scan3A_53#0, %shift_right_logical3A : i32
        %broadcast_in_dim3A_56 = vector.broadcast %shift_right_logical3A_55 : i32 to vector<16xi32>
        %and3A = arith.constant 127 : i32
        %and3A_57 = arith.andi %scan3A_53#0, %and3A : i32
        %add3A_58 = arith.constant 0 : i32
        %add3A_59 = vector.broadcast %add3A_58 : i32 to vector<16xi32>
        %add3A_60 = arith.addi %iota3A, %add3A_59 : vector<16xi32>
        %ge3A = vector.broadcast %and3A_57 : i32 to vector<16xi32>
        %ge3A_61 = arith.cmpi sge, %add3A_60, %ge3A : vector<16xi32>
        %add3A_62 = arith.constant 20000 : i32
        %add3A_63 = vector.broadcast %add3A_62 : i32 to vector<16xi32>
        %add3A_64 = arith.addi %add3A_63, %add3A_60 : vector<16xi32>
        tpu.vector_store_idx %arg8[%broadcast_in_dim3A_56, %add3A_60], %add3A_64 masked %ge3A_61 : memref<48x128xi32, #tpu.memory_space<vmem>>[vector<16xi32>, vector<16xi32>], vector<16xi32>, vector<16xi1>
        tpu.vector_store_idx %arg7[%broadcast_in_dim3A_56, %add3A_60], %add3A_60 masked %ge3A_61 : memref<48x128xi32, #tpu.memory_space<vmem>>[vector<16xi32>, vector<16xi32>], vector<16xi32>, vector<16xi1>
        %add3A_65 = arith.constant 16 : i32
        %add3A_66 = vector.broadcast %add3A_65 : i32 to vector<16xi32>
        %add3A_67 = arith.addi %iota3A, %add3A_66 : vector<16xi32>
        %ge3A_68 = vector.broadcast %and3A_57 : i32 to vector<16xi32>
        %ge3A_69 = arith.cmpi sge, %add3A_67, %ge3A_68 : vector<16xi32>
        %add3A_70 = arith.constant 20000 : i32
        %add3A_71 = vector.broadcast %add3A_70 : i32 to vector<16xi32>
        %add3A_72 = arith.addi %add3A_71, %add3A_67 : vector<16xi32>
        tpu.vector_store_idx %arg8[%broadcast_in_dim3A_56, %add3A_67], %add3A_72 masked %ge3A_69 : memref<48x128xi32, #tpu.memory_space<vmem>>[vector<16xi32>, vector<16xi32>], vector<16xi32>, vector<16xi1>
        tpu.vector_store_idx %arg7[%broadcast_in_dim3A_56, %add3A_67], %add3A_67 masked %ge3A_69 : memref<48x128xi32, #tpu.memory_space<vmem>>[vector<16xi32>, vector<16xi32>], vector<16xi32>, vector<16xi1>
        %add3A_73 = arith.constant 32 : i32
        %add3A_74 = vector.broadcast %add3A_73 : i32 to vector<16xi32>
        %add3A_75 = arith.addi %iota3A, %add3A_74 : vector<16xi32>
        %ge3A_76 = vector.broadcast %and3A_57 : i32 to vector<16xi32>
        %ge3A_77 = arith.cmpi sge, %add3A_75, %ge3A_76 : vector<16xi32>
        %add3A_78 = arith.constant 20000 : i32
        %add3A_79 = vector.broadcast %add3A_78 : i32 to vector<16xi32>
        %add3A_80 = arith.addi %add3A_79, %add3A_75 : vector<16xi32>
        tpu.vector_store_idx %arg8[%broadcast_in_dim3A_56, %add3A_75], %add3A_80 masked %ge3A_77 : memref<48x128xi32, #tpu.memory_space<vmem>>[vector<16xi32>, vector<16xi32>], vector<16xi32>, vector<16xi1>
        tpu.vector_store_idx %arg7[%broadcast_in_dim3A_56, %add3A_75], %add3A_75 masked %ge3A_77 : memref<48x128xi32, #tpu.memory_space<vmem>>[vector<16xi32>, vector<16xi32>], vector<16xi32>, vector<16xi1>
        %add3A_81 = arith.constant 48 : i32
        %add3A_82 = vector.broadcast %add3A_81 : i32 to vector<16xi32>
        %add3A_83 = arith.addi %iota3A, %add3A_82 : vector<16xi32>
        %ge3A_84 = vector.broadcast %and3A_57 : i32 to vector<16xi32>
        %ge3A_85 = arith.cmpi sge, %add3A_83, %ge3A_84 : vector<16xi32>
        %add3A_86 = arith.constant 20000 : i32
        %add3A_87 = vector.broadcast %add3A_86 : i32 to vector<16xi32>
        %add3A_88 = arith.addi %add3A_87, %add3A_83 : vector<16xi32>
        tpu.vector_store_idx %arg8[%broadcast_in_dim3A_56, %add3A_83], %add3A_88 masked %ge3A_85 : memref<48x128xi32, #tpu.memory_space<vmem>>[vector<16xi32>, vector<16xi32>], vector<16xi32>, vector<16xi1>
        tpu.vector_store_idx %arg7[%broadcast_in_dim3A_56, %add3A_83], %add3A_83 masked %ge3A_85 : memref<48x128xi32, #tpu.memory_space<vmem>>[vector<16xi32>, vector<16xi32>], vector<16xi32>, vector<16xi1>
        %add3A_89 = arith.constant 64 : i32
        %add3A_90 = vector.broadcast %add3A_89 : i32 to vector<16xi32>
        %add3A_91 = arith.addi %iota3A, %add3A_90 : vector<16xi32>
        %ge3A_92 = vector.broadcast %and3A_57 : i32 to vector<16xi32>
        %ge3A_93 = arith.cmpi sge, %add3A_91, %ge3A_92 : vector<16xi32>
        %add3A_94 = arith.constant 20000 : i32
        %add3A_95 = vector.broadcast %add3A_94 : i32 to vector<16xi32>
        %add3A_96 = arith.addi %add3A_95, %add3A_91 : vector<16xi32>
        tpu.vector_store_idx %arg8[%broadcast_in_dim3A_56, %add3A_91], %add3A_96 masked %ge3A_93 : memref<48x128xi32, #tpu.memory_space<vmem>>[vector<16xi32>, vector<16xi32>], vector<16xi32>, vector<16xi1>
        tpu.vector_store_idx %arg7[%broadcast_in_dim3A_56, %add3A_91], %add3A_91 masked %ge3A_93 : memref<48x128xi32, #tpu.memory_space<vmem>>[vector<16xi32>, vector<16xi32>], vector<16xi32>, vector<16xi1>
        %add3A_97 = arith.constant 80 : i32
        %add3A_98 = vector.broadcast %add3A_97 : i32 to vector<16xi32>
        %add3A_99 = arith.addi %iota3A, %add3A_98 : vector<16xi32>
        %ge3A_100 = vector.broadcast %and3A_57 : i32 to vector<16xi32>
        %ge3A_101 = arith.cmpi sge, %add3A_99, %ge3A_100 : vector<16xi32>
        %add3A_102 = arith.constant 20000 : i32
        %add3A_103 = vector.broadcast %add3A_102 : i32 to vector<16xi32>
        %add3A_104 = arith.addi %add3A_103, %add3A_99 : vector<16xi32>
        tpu.vector_store_idx %arg8[%broadcast_in_dim3A_56, %add3A_99], %add3A_104 masked %ge3A_101 : memref<48x128xi32, #tpu.memory_space<vmem>>[vector<16xi32>, vector<16xi32>], vector<16xi32>, vector<16xi1>
        tpu.vector_store_idx %arg7[%broadcast_in_dim3A_56, %add3A_99], %add3A_99 masked %ge3A_101 : memref<48x128xi32, #tpu.memory_space<vmem>>[vector<16xi32>, vector<16xi32>], vector<16xi32>, vector<16xi1>
        %add3A_105 = arith.constant 96 : i32
        %add3A_106 = vector.broadcast %add3A_105 : i32 to vector<16xi32>
        %add3A_107 = arith.addi %iota3A, %add3A_106 : vector<16xi32>
        %ge3A_108 = vector.broadcast %and3A_57 : i32 to vector<16xi32>
        %ge3A_109 = arith.cmpi sge, %add3A_107, %ge3A_108 : vector<16xi32>
        %add3A_110 = arith.constant 20000 : i32
        %add3A_111 = vector.broadcast %add3A_110 : i32 to vector<16xi32>
        %add3A_112 = arith.addi %add3A_111, %add3A_107 : vector<16xi32>
        tpu.vector_store_idx %arg8[%broadcast_in_dim3A_56, %add3A_107], %add3A_112 masked %ge3A_109 : memref<48x128xi32, #tpu.memory_space<vmem>>[vector<16xi32>, vector<16xi32>], vector<16xi32>, vector<16xi1>
        tpu.vector_store_idx %arg7[%broadcast_in_dim3A_56, %add3A_107], %add3A_107 masked %ge3A_109 : memref<48x128xi32, #tpu.memory_space<vmem>>[vector<16xi32>, vector<16xi32>], vector<16xi32>, vector<16xi1>
        %add3A_113 = arith.constant 112 : i32
        %add3A_114 = vector.broadcast %add3A_113 : i32 to vector<16xi32>
        %add3A_115 = arith.addi %iota3A, %add3A_114 : vector<16xi32>
        %ge3A_116 = vector.broadcast %and3A_57 : i32 to vector<16xi32>
        %ge3A_117 = arith.cmpi sge, %add3A_115, %ge3A_116 : vector<16xi32>
        %add3A_118 = arith.constant 20000 : i32
        %add3A_119 = vector.broadcast %add3A_118 : i32 to vector<16xi32>
        %add3A_120 = arith.addi %add3A_119, %add3A_115 : vector<16xi32>
        tpu.vector_store_idx %arg8[%broadcast_in_dim3A_56, %add3A_115], %add3A_120 masked %ge3A_117 : memref<48x128xi32, #tpu.memory_space<vmem>>[vector<16xi32>, vector<16xi32>], vector<16xi32>, vector<16xi1>
        tpu.vector_store_idx %arg7[%broadcast_in_dim3A_56, %add3A_115], %add3A_115 masked %ge3A_117 : memref<48x128xi32, #tpu.memory_space<vmem>>[vector<16xi32>, vector<16xi32>], vector<16xi32>, vector<16xi1>
        %add3A_121 = arith.constant 127 : i32
        %add3A_122 = arith.addi %scan3A_53#0, %add3A_121 : i32
        %shift_right_logical3A_123 = arith.constant 7 : i32
        %shift_right_logical3A_124 = arith.shrui %add3A_122, %shift_right_logical3A_123 : i32
        %while3A = arith.constant 0 : i32
        %while3A_125 = arith.constant 0 : i32
        %while3A_126 = arith.subi %shift_right_logical3A_124, %while3A_125 : i32
        %while3A_127 = arith.addi %while3A_125, %while3A_126 : i32
        %while3A_128 = arith.constant 1 : i32
        %while3A_129 = arith.divsi %while3A_126, %while3A_128 : i32
        %while3A_130 = arith.muli %while3A_129, %while3A_128 : i32
        %while3A_131 = arith.addi %while3A_125, %while3A_130 : i32
        %while3A_132 = arith.constant 1 : i32
        scf.for %while3A_162 = %while3A_125 to %while3A_131 step %while3A_132  : i32 {
          %dma_start3A = arith.constant 0 : i32
          %dma_start3A_163 = tpu.memref_slice %arg7[%while3A_162, %dma_start3A] : memref<48x128xi32, #tpu.memory_space<vmem>> -> memref<1x128xi32, #tpu.memory_space<vmem>>
          %dma_start3A_164 = tpu.memref_squeeze %dma_start3A_163 : memref<1x128xi32, #tpu.memory_space<vmem>> -> memref<128xi32, #tpu.memory_space<vmem>>
          %dma_start3A_165 = arith.constant 0 : i32
          %dma_start3A_166 = arith.constant 0 : i32
          %dma_start3A_167 = tpu.memref_slice %arg2[%dma_start3A_165, %dma_start3A_166] : memref<480000x64xf32, #tpu.memory_space<hbm>> -> memref<480000x64xf32, #tpu.memory_space<hbm>>
          tpu.enqueue_indirect_dma source(%dma_start3A_167 : memref<480000x64xf32, #tpu.memory_space<hbm>>) target(%arg9 : memref<128x64xf32, #tpu.memory_space<vmem>>) offsets(%dma_start3A_164 : memref<128xi32, #tpu.memory_space<vmem>>) semaphore(%arg15 : memref<!tpu.dma_semaphore, #tpu.memory_space<semaphore_mem>>)
          %dma_wait3A = arith.constant 0 : i32
          %dma_wait3A_168 = tpu.memref_slice %arg7[%while3A_162, %dma_wait3A] : memref<48x128xi32, #tpu.memory_space<vmem>> -> memref<1x128xi32, #tpu.memory_space<vmem>>
          %dma_wait3A_169 = tpu.memref_squeeze %dma_wait3A_168 : memref<1x128xi32, #tpu.memory_space<vmem>> -> memref<128xi32, #tpu.memory_space<vmem>>
          %dma_wait3A_170 = arith.constant 0 : i32
          %dma_wait3A_171 = arith.constant 0 : i32
          %dma_wait3A_172 = tpu.memref_slice %arg2[%dma_wait3A_170, %dma_wait3A_171] : memref<480000x64xf32, #tpu.memory_space<hbm>> -> memref<480000x64xf32, #tpu.memory_space<hbm>>
          tpu.wait_indirect_dma semaphore(%arg15 : memref<!tpu.dma_semaphore, #tpu.memory_space<semaphore_mem>>) src(%dma_wait3A_172 : memref<480000x64xf32, #tpu.memory_space<hbm>>) dst(%arg9 : memref<128x64xf32, #tpu.memory_space<vmem>>)
          "tpu.region"() ({
            %run_scoped3A = tpu.sem_alloc : memref<!tpu.dma_semaphore, #tpu.memory_space<semaphore_mem>>
            %dma_start3A_173 = arith.constant 0 : i32
            %dma_start3A_174 = tpu.memref_slice %arg8[%while3A_162, %dma_start3A_173] : memref<48x128xi32, #tpu.memory_space<vmem>> -> memref<1x128xi32, #tpu.memory_space<vmem>>
            %dma_start3A_175 = tpu.memref_squeeze %dma_start3A_174 : memref<1x128xi32, #tpu.memory_space<vmem>> -> memref<128xi32, #tpu.memory_space<vmem>>
            %dma_start3A_176 = arith.constant 0 : i32
            %dma_start3A_177 = arith.constant 0 : i32
            %dma_start3A_178 = tpu.memref_slice %arg14[%dma_start3A_176, %dma_start3A_177] : memref<20128x64xf32, #tpu.memory_space<vmem_shared>> -> memref<20128x64xf32, #tpu.memory_space<vmem_shared>>
            tpu.enqueue_indirect_dma source(%arg9 : memref<128x64xf32, #tpu.memory_space<vmem>>) target(%dma_start3A_178 : memref<20128x64xf32, #tpu.memory_space<vmem_shared>>) offsets(%dma_start3A_175 : memref<128xi32, #tpu.memory_space<vmem>>) semaphore(%run_scoped3A : memref<!tpu.dma_semaphore, #tpu.memory_space<semaphore_mem>>) {add = true}
            %dma_wait3A_179 = arith.constant 0 : i32
            %dma_wait3A_180 = tpu.memref_slice %arg8[%while3A_162, %dma_wait3A_179] : memref<48x128xi32, #tpu.memory_space<vmem>> -> memref<1x128xi32, #tpu.memory_space<vmem>>
            %dma_wait3A_181 = tpu.memref_squeeze %dma_wait3A_180 : memref<1x128xi32, #tpu.memory_space<vmem>> -> memref<128xi32, #tpu.memory_space<vmem>>
            %dma_wait3A_182 = arith.constant 0 : i32
            %dma_wait3A_183 = arith.constant 0 : i32
            %dma_wait3A_184 = tpu.memref_slice %arg14[%dma_wait3A_182, %dma_wait3A_183] : memref<20128x64xf32, #tpu.memory_space<vmem_shared>> -> memref<20128x64xf32, #tpu.memory_space<vmem_shared>>
            tpu.wait_indirect_dma semaphore(%run_scoped3A : memref<!tpu.dma_semaphore, #tpu.memory_space<semaphore_mem>>) src(%arg9 : memref<128x64xf32, #tpu.memory_space<vmem>>) dst(%dma_wait3A_184 : memref<20128x64xf32, #tpu.memory_space<vmem_shared>>)
            tpu.yield
          }) : () -> ()
        }
        %while3A_133 = arith.constant 1 : i32
        scf.for %while3A_162 = %while3A_131 to %while3A_127 step %while3A_133  : i32 {
          %dma_start3A = arith.constant 0 : i32
          %dma_start3A_163 = tpu.memref_slice %arg7[%while3A_162, %dma_start3A] : memref<48x128xi32, #tpu.memory_space<vmem>> -> memref<1x128xi32, #tpu.memory_space<vmem>>
          %dma_start3A_164 = tpu.memref_squeeze %dma_start3A_163 : memref<1x128xi32, #tpu.memory_space<vmem>> -> memref<128xi32, #tpu.memory_space<vmem>>
          %dma_start3A_165 = arith.constant 0 : i32
          %dma_start3A_166 = arith.constant 0 : i32
          %dma_start3A_167 = tpu.memref_slice %arg2[%dma_start3A_165, %dma_start3A_166] : memref<480000x64xf32, #tpu.memory_space<hbm>> -> memref<480000x64xf32, #tpu.memory_space<hbm>>
          tpu.enqueue_indirect_dma source(%dma_start3A_167 : memref<480000x64xf32, #tpu.memory_space<hbm>>) target(%arg9 : memref<128x64xf32, #tpu.memory_space<vmem>>) offsets(%dma_start3A_164 : memref<128xi32, #tpu.memory_space<vmem>>) semaphore(%arg15 : memref<!tpu.dma_semaphore, #tpu.memory_space<semaphore_mem>>)
          %dma_wait3A = arith.constant 0 : i32
          %dma_wait3A_168 = tpu.memref_slice %arg7[%while3A_162, %dma_wait3A] : memref<48x128xi32, #tpu.memory_space<vmem>> -> memref<1x128xi32, #tpu.memory_space<vmem>>
          %dma_wait3A_169 = tpu.memref_squeeze %dma_wait3A_168 : memref<1x128xi32, #tpu.memory_space<vmem>> -> memref<128xi32, #tpu.memory_space<vmem>>
          %dma_wait3A_170 = arith.constant 0 : i32
          %dma_wait3A_171 = arith.constant 0 : i32
          %dma_wait3A_172 = tpu.memref_slice %arg2[%dma_wait3A_170, %dma_wait3A_171] : memref<480000x64xf32, #tpu.memory_space<hbm>> -> memref<480000x64xf32, #tpu.memory_space<hbm>>
          tpu.wait_indirect_dma semaphore(%arg15 : memref<!tpu.dma_semaphore, #tpu.memory_space<semaphore_mem>>) src(%dma_wait3A_172 : memref<480000x64xf32, #tpu.memory_space<hbm>>) dst(%arg9 : memref<128x64xf32, #tpu.memory_space<vmem>>)
          "tpu.region"() ({
            %run_scoped3A = tpu.sem_alloc : memref<!tpu.dma_semaphore, #tpu.memory_space<semaphore_mem>>
            %dma_start3A_173 = arith.constant 0 : i32
            %dma_start3A_174 = tpu.memref_slice %arg8[%while3A_162, %dma_start3A_173] : memref<48x128xi32, #tpu.memory_space<vmem>> -> memref<1x128xi32, #tpu.memory_space<vmem>>
            %dma_start3A_175 = tpu.memref_squeeze %dma_start3A_174 : memref<1x128xi32, #tpu.memory_space<vmem>> -> memref<128xi32, #tpu.memory_space<vmem>>
            %dma_start3A_176 = arith.constant 0 : i32
            %dma_start3A_177 = arith.constant 0 : i32
            %dma_start3A_178 = tpu.memref_slice %arg14[%dma_start3A_176, %dma_start3A_177] : memref<20128x64xf32, #tpu.memory_space<vmem_shared>> -> memref<20128x64xf32, #tpu.memory_space<vmem_shared>>
            tpu.enqueue_indirect_dma source(%arg9 : memref<128x64xf32, #tpu.memory_space<vmem>>) target(%dma_start3A_178 : memref<20128x64xf32, #tpu.memory_space<vmem_shared>>) offsets(%dma_start3A_175 : memref<128xi32, #tpu.memory_space<vmem>>) semaphore(%run_scoped3A : memref<!tpu.dma_semaphore, #tpu.memory_space<semaphore_mem>>) {add = true}
            %dma_wait3A_179 = arith.constant 0 : i32
            %dma_wait3A_180 = tpu.memref_slice %arg8[%while3A_162, %dma_wait3A_179] : memref<48x128xi32, #tpu.memory_space<vmem>> -> memref<1x128xi32, #tpu.memory_space<vmem>>
            %dma_wait3A_181 = tpu.memref_squeeze %dma_wait3A_180 : memref<1x128xi32, #tpu.memory_space<vmem>> -> memref<128xi32, #tpu.memory_space<vmem>>
            %dma_wait3A_182 = arith.constant 0 : i32
            %dma_wait3A_183 = arith.constant 0 : i32
            %dma_wait3A_184 = tpu.memref_slice %arg14[%dma_wait3A_182, %dma_wait3A_183] : memref<20128x64xf32, #tpu.memory_space<vmem_shared>> -> memref<20128x64xf32, #tpu.memory_space<vmem_shared>>
            tpu.wait_indirect_dma semaphore(%run_scoped3A : memref<!tpu.dma_semaphore, #tpu.memory_space<semaphore_mem>>) src(%arg9 : memref<128x64xf32, #tpu.memory_space<vmem>>) dst(%dma_wait3A_184 : memref<20128x64xf32, #tpu.memory_space<vmem_shared>>)
            tpu.yield
          }) : () -> ()
        }
        %add3A_134 = arith.constant 15 : i32
        %add3A_135 = arith.addi %scan3A_53#1, %add3A_134 : i32
        %shift_right_logical3A_136 = arith.constant 4 : i32
        %shift_right_logical3A_137 = arith.shrui %add3A_135, %shift_right_logical3A_136 : i32
        %while3A_138 = arith.constant 0 : i32
        %while3A_139 = arith.constant 0 : i32
        %while3A_140 = arith.subi %shift_right_logical3A_137, %while3A_139 : i32
        %while3A_141 = arith.addi %while3A_139, %while3A_140 : i32
        %while3A_142 = arith.constant 1 : i32
        %while3A_143 = arith.divsi %while3A_140, %while3A_142 : i32
        %while3A_144 = arith.muli %while3A_143, %while3A_142 : i32
        %while3A_145 = arith.addi %while3A_139, %while3A_144 : i32
        %while3A_146 = arith.constant 1 : i32
        scf.for %while3A_162 = %while3A_139 to %while3A_145 step %while3A_146  : i32 {
          %shift_right_logical3A_163 = arith.constant 3 : i32
          %shift_right_logical3A_164 = arith.shrui %while3A_162, %shift_right_logical3A_163 : i32
          %add3A_165 = arith.constant 40 : i32
          %add3A_166 = arith.addi %add3A_165, %shift_right_logical3A_164 : i32
          %and3A_167 = arith.constant 7 : i32
          %and3A_168 = arith.andi %while3A_162, %and3A_167 : i32
          %mul3A_169 = arith.constant 16 : i32
          %mul3A_170 = arith.muli %and3A_168, %mul3A_169 : i32
          %get3A = arith.index_cast %add3A_166 : i32 to index
          %get3A_171 = arith.index_cast %mul3A_170 : i32 to index
          %get3A_172 = tpu.vector_load %arg8[%get3A, %get3A_171] {strides = array<i32>} : memref<48x128xi32, #tpu.memory_space<vmem>>, vector<16xi32>,
          %get3A_173 = arith.index_cast %add3A_166 : i32 to index
          %get3A_174 = arith.index_cast %mul3A_170 : i32 to index
          %get3A_175 = tpu.vector_load %arg7[%get3A_173, %get3A_174] {strides = array<i32>} : memref<48x128xi32, #tpu.memory_space<vmem>>, vector<16xi32>,
          %mul3A_176 = arith.constant 16 : i32
          %mul3A_177 = arith.muli %while3A_162, %mul3A_176 : i32
          %add3A_178 = vector.broadcast %mul3A_177 : i32 to vector<16xi32>
          %add3A_179 = arith.addi %add3A_178, %iota3A : vector<16xi32>
          %lt3A = vector.broadcast %scan3A_53#1 : i32 to vector<16xi32>
          %lt3A_180 = arith.cmpi slt, %add3A_179, %lt3A : vector<16xi32>
          %jit3A_181 = arith.constant -1 : i32
          %broadcast_in_dim3A_182 = vector.broadcast %jit3A_181 : i32 to vector<16xi32>
          %select_n3A_183 = arith.select %lt3A_180, %get3A_172, %broadcast_in_dim3A_182 : vector<16xi1>, vector<16xi32>
          %unique3A_184, %unique3A_185 = tpu.scan_count mask(%lt3A_180 : vector<16xi1>) value(%select_n3A_183 : vector<16xi32>) : vector<16xi1>, vector<16xi32>
          %add3A_186 = vector.broadcast %sub3A_15 : i32 to vector<16xi32>
          %add3A_187 = arith.addi %unique3A_185, %add3A_186 : vector<16xi32>
          %jit3A_188 = arith.constant 0 : i32
          %broadcast_in_dim3A_189 = vector.broadcast %jit3A_188 : i32 to vector<16xi32>
          %select_n3A_190 = arith.select %lt3A_180, %add3A_187, %broadcast_in_dim3A_189 : vector<16xi1>, vector<16xi32>
          %reduce_max3A = arith.constant true
          %reduce_max3A_191 = vector.broadcast %reduce_max3A : i1 to vector<16xi1>
          %reduce_max3A_192 = arith.constant -2147483648 : i32
          %reduce_max3A_193 = vector.broadcast %reduce_max3A_192 : i32 to vector<16xi32>
          %reduce_max3A_194 = arith.xori %select_n3A_190, %reduce_max3A_193 : vector<16xi32>
          %reduce_max3A_195 = tpu.scan <max>, %reduce_max3A_194 masked %reduce_max3A_191 : vector<16xi32>, vector<16xi1> -> vector<16xi32>
          %reduce_max3A_196 = arith.xori %reduce_max3A_195, %reduce_max3A_193 : vector<16xi32>
          %reduce_max3A_197 = vector.extract %reduce_max3A_196[15] : i32 from vector<16xi32>
          %while3A_198 = arith.constant 0 : i32
          %while3A_199 = arith.constant 0 : i32
          %while3A_200 = arith.subi %reduce_max3A_197, %while3A_199 : i32
          %while3A_201 = arith.addi %while3A_199, %while3A_200 : i32
          %while3A_202 = arith.constant 1 : i32
          %while3A_203 = arith.divsi %while3A_200, %while3A_202 : i32
          %while3A_204 = arith.muli %while3A_203, %while3A_202 : i32
          %while3A_205 = arith.addi %while3A_199, %while3A_204 : i32
          %while3A_206 = arith.constant 1 : i32
          scf.for %while3A_208 = %while3A_199 to %while3A_205 step %while3A_206  : i32 {
            %add3A_209 = arith.constant 1 : i32
            %add3A_210 = arith.addi %while3A_208, %add3A_209 : i32
            %eq3A_211 = vector.broadcast %add3A_210 : i32 to vector<16xi32>
            %eq3A_212 = arith.cmpi eq, %add3A_187, %eq3A_211 : vector<16xi32>
            %and3A_213 = arith.andi %lt3A_180, %eq3A_212 : vector<16xi1>
            %select_n3A_214 = arith.select %and3A_213, %get3A_175, %iota3A : vector<16xi1>, vector<16xi32>
            %swap3A = arith.constant 0 : index
            %swap3A_215 = tpu.vector_load %arg11[%swap3A] {strides = array<i32>} : memref<16xi32, #tpu.memory_space<vmem>>, vector<16xi32>,
            tpu.vector_store %arg11[%swap3A], %select_n3A_214 {strides = array<i32>} : memref<16xi32, #tpu.memory_space<vmem>>, vector<16xi32>,
            %add3A_216 = arith.constant 20000 : i32
            %add3A_217 = vector.broadcast %add3A_216 : i32 to vector<16xi32>
            %add3A_218 = arith.addi %add3A_217, %iota3A : vector<16xi32>
            %select_n3A_219 = arith.select %and3A_213, %get3A_172, %add3A_218 : vector<16xi1>, vector<16xi32>
            %swap3A_220 = arith.constant 0 : index
            %swap3A_221 = tpu.vector_load %arg12[%swap3A_220] {strides = array<i32>} : memref<16xi32, #tpu.memory_space<vmem>>, vector<16xi32>,
            tpu.vector_store %arg12[%swap3A_220], %select_n3A_219 {strides = array<i32>} : memref<16xi32, #tpu.memory_space<vmem>>, vector<16xi32>,
            %dma_start3A = arith.constant 0 : i32
            %dma_start3A_222 = arith.constant 0 : i32
            %dma_start3A_223 = tpu.memref_slice %arg2[%dma_start3A, %dma_start3A_222] : memref<480000x64xf32, #tpu.memory_space<hbm>> -> memref<480000x64xf32, #tpu.memory_space<hbm>>
            tpu.enqueue_indirect_dma source(%dma_start3A_223 : memref<480000x64xf32, #tpu.memory_space<hbm>>) target(%arg10 : memref<16x64xf32, #tpu.memory_space<vmem>>) offsets(%arg11 : memref<16xi32, #tpu.memory_space<vmem>>) semaphore(%arg15 : memref<!tpu.dma_semaphore, #tpu.memory_space<semaphore_mem>>)
            %dma_wait3A = arith.constant 0 : i32
            %dma_wait3A_224 = arith.constant 0 : i32
            %dma_wait3A_225 = tpu.memref_slice %arg2[%dma_wait3A, %dma_wait3A_224] : memref<480000x64xf32, #tpu.memory_space<hbm>> -> memref<480000x64xf32, #tpu.memory_space<hbm>>
            tpu.wait_indirect_dma semaphore(%arg15 : memref<!tpu.dma_semaphore, #tpu.memory_space<semaphore_mem>>) src(%dma_wait3A_225 : memref<480000x64xf32, #tpu.memory_space<hbm>>) dst(%arg10 : memref<16x64xf32, #tpu.memory_space<vmem>>)
            "tpu.region"() ({
              %run_scoped3A = tpu.sem_alloc : memref<!tpu.dma_semaphore, #tpu.memory_space<semaphore_mem>>
              %dma_start3A_226 = arith.constant 0 : i32
              %dma_start3A_227 = arith.constant 0 : i32
              %dma_start3A_228 = tpu.memref_slice %arg14[%dma_start3A_226, %dma_start3A_227] : memref<20128x64xf32, #tpu.memory_space<vmem_shared>> -> memref<20128x64xf32, #tpu.memory_space<vmem_shared>>
              tpu.enqueue_indirect_dma source(%arg10 : memref<16x64xf32, #tpu.memory_space<vmem>>) target(%dma_start3A_228 : memref<20128x64xf32, #tpu.memory_space<vmem_shared>>) offsets(%arg12 : memref<16xi32, #tpu.memory_space<vmem>>) semaphore(%run_scoped3A : memref<!tpu.dma_semaphore, #tpu.memory_space<semaphore_mem>>) {add = true}
              %dma_wait3A_229 = arith.constant 0 : i32
              %dma_wait3A_230 = arith.constant 0 : i32
              %dma_wait3A_231 = tpu.memref_slice %arg14[%dma_wait3A_229, %dma_wait3A_230] : memref<20128x64xf32, #tpu.memory_space<vmem_shared>> -> memref<20128x64xf32, #tpu.memory_space<vmem_shared>>
              tpu.wait_indirect_dma semaphore(%run_scoped3A : memref<!tpu.dma_semaphore, #tpu.memory_space<semaphore_mem>>) src(%arg10 : memref<16x64xf32, #tpu.memory_space<vmem>>) dst(%dma_wait3A_231 : memref<20128x64xf32, #tpu.memory_space<vmem_shared>>)
              tpu.yield
            }) : () -> ()
          }
          %while3A_207 = arith.constant 1 : i32
          scf.for %while3A_208 = %while3A_205 to %while3A_201 step %while3A_207  : i32 {
            %add3A_209 = arith.constant 1 : i32
            %add3A_210 = arith.addi %while3A_208, %add3A_209 : i32
            %eq3A_211 = vector.broadcast %add3A_210 : i32 to vector<16xi32>
            %eq3A_212 = arith.cmpi eq, %add3A_187, %eq3A_211 : vector<16xi32>
            %and3A_213 = arith.andi %lt3A_180, %eq3A_212 : vector<16xi1>
            %select_n3A_214 = arith.select %and3A_213, %get3A_175, %iota3A : vector<16xi1>, vector<16xi32>
            %swap3A = arith.constant 0 : index
            %swap3A_215 = tpu.vector_load %arg11[%swap3A] {strides = array<i32>} : memref<16xi32, #tpu.memory_space<vmem>>, vector<16xi32>,
            tpu.vector_store %arg11[%swap3A], %select_n3A_214 {strides = array<i32>} : memref<16xi32, #tpu.memory_space<vmem>>, vector<16xi32>,
            %add3A_216 = arith.constant 20000 : i32
            %add3A_217 = vector.broadcast %add3A_216 : i32 to vector<16xi32>
            %add3A_218 = arith.addi %add3A_217, %iota3A : vector<16xi32>
            %select_n3A_219 = arith.select %and3A_213, %get3A_172, %add3A_218 : vector<16xi1>, vector<16xi32>
            %swap3A_220 = arith.constant 0 : index
            %swap3A_221 = tpu.vector_load %arg12[%swap3A_220] {strides = array<i32>} : memref<16xi32, #tpu.memory_space<vmem>>, vector<16xi32>,
            tpu.vector_store %arg12[%swap3A_220], %select_n3A_219 {strides = array<i32>} : memref<16xi32, #tpu.memory_space<vmem>>, vector<16xi32>,
            %dma_start3A = arith.constant 0 : i32
            %dma_start3A_222 = arith.constant 0 : i32
            %dma_start3A_223 = tpu.memref_slice %arg2[%dma_start3A, %dma_start3A_222] : memref<480000x64xf32, #tpu.memory_space<hbm>> -> memref<480000x64xf32, #tpu.memory_space<hbm>>
            tpu.enqueue_indirect_dma source(%dma_start3A_223 : memref<480000x64xf32, #tpu.memory_space<hbm>>) target(%arg10 : memref<16x64xf32, #tpu.memory_space<vmem>>) offsets(%arg11 : memref<16xi32, #tpu.memory_space<vmem>>) semaphore(%arg15 : memref<!tpu.dma_semaphore, #tpu.memory_space<semaphore_mem>>)
            %dma_wait3A = arith.constant 0 : i32
            %dma_wait3A_224 = arith.constant 0 : i32
            %dma_wait3A_225 = tpu.memref_slice %arg2[%dma_wait3A, %dma_wait3A_224] : memref<480000x64xf32, #tpu.memory_space<hbm>> -> memref<480000x64xf32, #tpu.memory_space<hbm>>
            tpu.wait_indirect_dma semaphore(%arg15 : memref<!tpu.dma_semaphore, #tpu.memory_space<semaphore_mem>>) src(%dma_wait3A_225 : memref<480000x64xf32, #tpu.memory_space<hbm>>) dst(%arg10 : memref<16x64xf32, #tpu.memory_space<vmem>>)
            "tpu.region"() ({
              %run_scoped3A = tpu.sem_alloc : memref<!tpu.dma_semaphore, #tpu.memory_space<semaphore_mem>>
              %dma_start3A_226 = arith.constant 0 : i32
              %dma_start3A_227 = arith.constant 0 : i32
              %dma_start3A_228 = tpu.memref_slice %arg14[%dma_start3A_226, %dma_start3A_227] : memref<20128x64xf32, #tpu.memory_space<vmem_shared>> -> memref<20128x64xf32, #tpu.memory_space<vmem_shared>>
              tpu.enqueue_indirect_dma source(%arg10 : memref<16x64xf32, #tpu.memory_space<vmem>>) target(%dma_start3A_228 : memref<20128x64xf32, #tpu.memory_space<vmem_shared>>) offsets(%arg12 : memref<16xi32, #tpu.memory_space<vmem>>) semaphore(%run_scoped3A : memref<!tpu.dma_semaphore, #tpu.memory_space<semaphore_mem>>) {add = true}
              %dma_wait3A_229 = arith.constant 0 : i32
              %dma_wait3A_230 = arith.constant 0 : i32
              %dma_wait3A_231 = tpu.memref_slice %arg14[%dma_wait3A_229, %dma_wait3A_230] : memref<20128x64xf32, #tpu.memory_space<vmem_shared>> -> memref<20128x64xf32, #tpu.memory_space<vmem_shared>>
              tpu.wait_indirect_dma semaphore(%run_scoped3A : memref<!tpu.dma_semaphore, #tpu.memory_space<semaphore_mem>>) src(%arg10 : memref<16x64xf32, #tpu.memory_space<vmem>>) dst(%dma_wait3A_231 : memref<20128x64xf32, #tpu.memory_space<vmem_shared>>)
              tpu.yield
            }) : () -> ()
          }
        }
        %while3A_147 = arith.constant 1 : i32
        scf.for %while3A_162 = %while3A_145 to %while3A_141 step %while3A_147  : i32 {
          %shift_right_logical3A_163 = arith.constant 3 : i32
          %shift_right_logical3A_164 = arith.shrui %while3A_162, %shift_right_logical3A_163 : i32
          %add3A_165 = arith.constant 40 : i32
          %add3A_166 = arith.addi %add3A_165, %shift_right_logical3A_164 : i32
          %and3A_167 = arith.constant 7 : i32
          %and3A_168 = arith.andi %while3A_162, %and3A_167 : i32
          %mul3A_169 = arith.constant 16 : i32
          %mul3A_170 = arith.muli %and3A_168, %mul3A_169 : i32
          %get3A = arith.index_cast %add3A_166 : i32 to index
          %get3A_171 = arith.index_cast %mul3A_170 : i32 to index
          %get3A_172 = tpu.vector_load %arg8[%get3A, %get3A_171] {strides = array<i32>} : memref<48x128xi32, #tpu.memory_space<vmem>>, vector<16xi32>,
          %get3A_173 = arith.index_cast %add3A_166 : i32 to index
          %get3A_174 = arith.index_cast %mul3A_170 : i32 to index
          %get3A_175 = tpu.vector_load %arg7[%get3A_173, %get3A_174] {strides = array<i32>} : memref<48x128xi32, #tpu.memory_space<vmem>>, vector<16xi32>,
          %mul3A_176 = arith.constant 16 : i32
          %mul3A_177 = arith.muli %while3A_162, %mul3A_176 : i32
          %add3A_178 = vector.broadcast %mul3A_177 : i32 to vector<16xi32>
          %add3A_179 = arith.addi %add3A_178, %iota3A : vector<16xi32>
          %lt3A = vector.broadcast %scan3A_53#1 : i32 to vector<16xi32>
          %lt3A_180 = arith.cmpi slt, %add3A_179, %lt3A : vector<16xi32>
          %jit3A_181 = arith.constant -1 : i32
          %broadcast_in_dim3A_182 = vector.broadcast %jit3A_181 : i32 to vector<16xi32>
          %select_n3A_183 = arith.select %lt3A_180, %get3A_172, %broadcast_in_dim3A_182 : vector<16xi1>, vector<16xi32>
          %unique3A_184, %unique3A_185 = tpu.scan_count mask(%lt3A_180 : vector<16xi1>) value(%select_n3A_183 : vector<16xi32>) : vector<16xi1>, vector<16xi32>
          %add3A_186 = vector.broadcast %sub3A_15 : i32 to vector<16xi32>
          %add3A_187 = arith.addi %unique3A_185, %add3A_186 : vector<16xi32>
          %jit3A_188 = arith.constant 0 : i32
          %broadcast_in_dim3A_189 = vector.broadcast %jit3A_188 : i32 to vector<16xi32>
          %select_n3A_190 = arith.select %lt3A_180, %add3A_187, %broadcast_in_dim3A_189 : vector<16xi1>, vector<16xi32>
          %reduce_max3A = arith.constant true
          %reduce_max3A_191 = vector.broadcast %reduce_max3A : i1 to vector<16xi1>
          %reduce_max3A_192 = arith.constant -2147483648 : i32
          %reduce_max3A_193 = vector.broadcast %reduce_max3A_192 : i32 to vector<16xi32>
          %reduce_max3A_194 = arith.xori %select_n3A_190, %reduce_max3A_193 : vector<16xi32>
          %reduce_max3A_195 = tpu.scan <max>, %reduce_max3A_194 masked %reduce_max3A_191 : vector<16xi32>, vector<16xi1> -> vector<16xi32>
          %reduce_max3A_196 = arith.xori %reduce_max3A_195, %reduce_max3A_193 : vector<16xi32>
          %reduce_max3A_197 = vector.extract %reduce_max3A_196[15] : i32 from vector<16xi32>
          %while3A_198 = arith.constant 0 : i32
          %while3A_199 = arith.constant 0 : i32
          %while3A_200 = arith.subi %reduce_max3A_197, %while3A_199 : i32
          %while3A_201 = arith.addi %while3A_199, %while3A_200 : i32
          %while3A_202 = arith.constant 1 : i32
          %while3A_203 = arith.divsi %while3A_200, %while3A_202 : i32
          %while3A_204 = arith.muli %while3A_203, %while3A_202 : i32
          %while3A_205 = arith.addi %while3A_199, %while3A_204 : i32
          %while3A_206 = arith.constant 1 : i32
          scf.for %while3A_208 = %while3A_199 to %while3A_205 step %while3A_206  : i32 {
            %add3A_209 = arith.constant 1 : i32
            %add3A_210 = arith.addi %while3A_208, %add3A_209 : i32
            %eq3A_211 = vector.broadcast %add3A_210 : i32 to vector<16xi32>
            %eq3A_212 = arith.cmpi eq, %add3A_187, %eq3A_211 : vector<16xi32>
            %and3A_213 = arith.andi %lt3A_180, %eq3A_212 : vector<16xi1>
            %select_n3A_214 = arith.select %and3A_213, %get3A_175, %iota3A : vector<16xi1>, vector<16xi32>
            %swap3A = arith.constant 0 : index
            %swap3A_215 = tpu.vector_load %arg11[%swap3A] {strides = array<i32>} : memref<16xi32, #tpu.memory_space<vmem>>, vector<16xi32>,
            tpu.vector_store %arg11[%swap3A], %select_n3A_214 {strides = array<i32>} : memref<16xi32, #tpu.memory_space<vmem>>, vector<16xi32>,
            %add3A_216 = arith.constant 20000 : i32
            %add3A_217 = vector.broadcast %add3A_216 : i32 to vector<16xi32>
            %add3A_218 = arith.addi %add3A_217, %iota3A : vector<16xi32>
            %select_n3A_219 = arith.select %and3A_213, %get3A_172, %add3A_218 : vector<16xi1>, vector<16xi32>
            %swap3A_220 = arith.constant 0 : index
            %swap3A_221 = tpu.vector_load %arg12[%swap3A_220] {strides = array<i32>} : memref<16xi32, #tpu.memory_space<vmem>>, vector<16xi32>,
            tpu.vector_store %arg12[%swap3A_220], %select_n3A_219 {strides = array<i32>} : memref<16xi32, #tpu.memory_space<vmem>>, vector<16xi32>,
            %dma_start3A = arith.constant 0 : i32
            %dma_start3A_222 = arith.constant 0 : i32
            %dma_start3A_223 = tpu.memref_slice %arg2[%dma_start3A, %dma_start3A_222] : memref<480000x64xf32, #tpu.memory_space<hbm>> -> memref<480000x64xf32, #tpu.memory_space<hbm>>
            tpu.enqueue_indirect_dma source(%dma_start3A_223 : memref<480000x64xf32, #tpu.memory_space<hbm>>) target(%arg10 : memref<16x64xf32, #tpu.memory_space<vmem>>) offsets(%arg11 : memref<16xi32, #tpu.memory_space<vmem>>) semaphore(%arg15 : memref<!tpu.dma_semaphore, #tpu.memory_space<semaphore_mem>>)
            %dma_wait3A = arith.constant 0 : i32
            %dma_wait3A_224 = arith.constant 0 : i32
            %dma_wait3A_225 = tpu.memref_slice %arg2[%dma_wait3A, %dma_wait3A_224] : memref<480000x64xf32, #tpu.memory_space<hbm>> -> memref<480000x64xf32, #tpu.memory_space<hbm>>
            tpu.wait_indirect_dma semaphore(%arg15 : memref<!tpu.dma_semaphore, #tpu.memory_space<semaphore_mem>>) src(%dma_wait3A_225 : memref<480000x64xf32, #tpu.memory_space<hbm>>) dst(%arg10 : memref<16x64xf32, #tpu.memory_space<vmem>>)
            "tpu.region"() ({
              %run_scoped3A = tpu.sem_alloc : memref<!tpu.dma_semaphore, #tpu.memory_space<semaphore_mem>>
              %dma_start3A_226 = arith.constant 0 : i32
              %dma_start3A_227 = arith.constant 0 : i32
              %dma_start3A_228 = tpu.memref_slice %arg14[%dma_start3A_226, %dma_start3A_227] : memref<20128x64xf32, #tpu.memory_space<vmem_shared>> -> memref<20128x64xf32, #tpu.memory_space<vmem_shared>>
              tpu.enqueue_indirect_dma source(%arg10 : memref<16x64xf32, #tpu.memory_space<vmem>>) target(%dma_start3A_228 : memref<20128x64xf32, #tpu.memory_space<vmem_shared>>) offsets(%arg12 : memref<16xi32, #tpu.memory_space<vmem>>) semaphore(%run_scoped3A : memref<!tpu.dma_semaphore, #tpu.memory_space<semaphore_mem>>) {add = true}
              %dma_wait3A_229 = arith.constant 0 : i32
              %dma_wait3A_230 = arith.constant 0 : i32
              %dma_wait3A_231 = tpu.memref_slice %arg14[%dma_wait3A_229, %dma_wait3A_230] : memref<20128x64xf32, #tpu.memory_space<vmem_shared>> -> memref<20128x64xf32, #tpu.memory_space<vmem_shared>>
              tpu.wait_indirect_dma semaphore(%run_scoped3A : memref<!tpu.dma_semaphore, #tpu.memory_space<semaphore_mem>>) src(%arg10 : memref<16x64xf32, #tpu.memory_space<vmem>>) dst(%dma_wait3A_231 : memref<20128x64xf32, #tpu.memory_space<vmem_shared>>)
              tpu.yield
            }) : () -> ()
          }
          %while3A_207 = arith.constant 1 : i32
          scf.for %while3A_208 = %while3A_205 to %while3A_201 step %while3A_207  : i32 {
            %add3A_209 = arith.constant 1 : i32
            %add3A_210 = arith.addi %while3A_208, %add3A_209 : i32
            %eq3A_211 = vector.broadcast %add3A_210 : i32 to vector<16xi32>
            %eq3A_212 = arith.cmpi eq, %add3A_187, %eq3A_211 : vector<16xi32>
            %and3A_213 = arith.andi %lt3A_180, %eq3A_212 : vector<16xi1>
            %select_n3A_214 = arith.select %and3A_213, %get3A_175, %iota3A : vector<16xi1>, vector<16xi32>
            %swap3A = arith.constant 0 : index
            %swap3A_215 = tpu.vector_load %arg11[%swap3A] {strides = array<i32>} : memref<16xi32, #tpu.memory_space<vmem>>, vector<16xi32>,
            tpu.vector_store %arg11[%swap3A], %select_n3A_214 {strides = array<i32>} : memref<16xi32, #tpu.memory_space<vmem>>, vector<16xi32>,
            %add3A_216 = arith.constant 20000 : i32
            %add3A_217 = vector.broadcast %add3A_216 : i32 to vector<16xi32>
            %add3A_218 = arith.addi %add3A_217, %iota3A : vector<16xi32>
            %select_n3A_219 = arith.select %and3A_213, %get3A_172, %add3A_218 : vector<16xi1>, vector<16xi32>
            %swap3A_220 = arith.constant 0 : index
            %swap3A_221 = tpu.vector_load %arg12[%swap3A_220] {strides = array<i32>} : memref<16xi32, #tpu.memory_space<vmem>>, vector<16xi32>,
            tpu.vector_store %arg12[%swap3A_220], %select_n3A_219 {strides = array<i32>} : memref<16xi32, #tpu.memory_space<vmem>>, vector<16xi32>,
            %dma_start3A = arith.constant 0 : i32
            %dma_start3A_222 = arith.constant 0 : i32
            %dma_start3A_223 = tpu.memref_slice %arg2[%dma_start3A, %dma_start3A_222] : memref<480000x64xf32, #tpu.memory_space<hbm>> -> memref<480000x64xf32, #tpu.memory_space<hbm>>
            tpu.enqueue_indirect_dma source(%dma_start3A_223 : memref<480000x64xf32, #tpu.memory_space<hbm>>) target(%arg10 : memref<16x64xf32, #tpu.memory_space<vmem>>) offsets(%arg11 : memref<16xi32, #tpu.memory_space<vmem>>) semaphore(%arg15 : memref<!tpu.dma_semaphore, #tpu.memory_space<semaphore_mem>>)
            %dma_wait3A = arith.constant 0 : i32
            %dma_wait3A_224 = arith.constant 0 : i32
            %dma_wait3A_225 = tpu.memref_slice %arg2[%dma_wait3A, %dma_wait3A_224] : memref<480000x64xf32, #tpu.memory_space<hbm>> -> memref<480000x64xf32, #tpu.memory_space<hbm>>
            tpu.wait_indirect_dma semaphore(%arg15 : memref<!tpu.dma_semaphore, #tpu.memory_space<semaphore_mem>>) src(%dma_wait3A_225 : memref<480000x64xf32, #tpu.memory_space<hbm>>) dst(%arg10 : memref<16x64xf32, #tpu.memory_space<vmem>>)
            "tpu.region"() ({
              %run_scoped3A = tpu.sem_alloc : memref<!tpu.dma_semaphore, #tpu.memory_space<semaphore_mem>>
              %dma_start3A_226 = arith.constant 0 : i32
              %dma_start3A_227 = arith.constant 0 : i32
              %dma_start3A_228 = tpu.memref_slice %arg14[%dma_start3A_226, %dma_start3A_227] : memref<20128x64xf32, #tpu.memory_space<vmem_shared>> -> memref<20128x64xf32, #tpu.memory_space<vmem_shared>>
              tpu.enqueue_indirect_dma source(%arg10 : memref<16x64xf32, #tpu.memory_space<vmem>>) target(%dma_start3A_228 : memref<20128x64xf32, #tpu.memory_space<vmem_shared>>) offsets(%arg12 : memref<16xi32, #tpu.memory_space<vmem>>) semaphore(%run_scoped3A : memref<!tpu.dma_semaphore, #tpu.memory_space<semaphore_mem>>) {add = true}
              %dma_wait3A_229 = arith.constant 0 : i32
              %dma_wait3A_230 = arith.constant 0 : i32
              %dma_wait3A_231 = tpu.memref_slice %arg14[%dma_wait3A_229, %dma_wait3A_230] : memref<20128x64xf32, #tpu.memory_space<vmem_shared>> -> memref<20128x64xf32, #tpu.memory_space<vmem_shared>>
              tpu.wait_indirect_dma semaphore(%run_scoped3A : memref<!tpu.dma_semaphore, #tpu.memory_space<semaphore_mem>>) src(%arg10 : memref<16x64xf32, #tpu.memory_space<vmem>>) dst(%dma_wait3A_231 : memref<20128x64xf32, #tpu.memory_space<vmem_shared>>)
              tpu.yield
            }) : () -> ()
          }
        }
        %add3A_148 = arith.constant 15 : i32
        %add3A_149 = arith.addi %scan3A_53#0, %add3A_148 : i32
        %shift_right_logical3A_150 = arith.constant 4 : i32
        %shift_right_logical3A_151 = arith.shrui %add3A_149, %shift_right_logical3A_150 : i32
        %while3A_152 = arith.constant 0 : i32
        %while3A_153 = arith.constant 0 : i32
        %while3A_154 = arith.subi %shift_right_logical3A_151, %while3A_153 : i32
        %while3A_155 = arith.addi %while3A_153, %while3A_154 : i32
        %while3A_156 = arith.constant 1 : i32
        %while3A_157 = arith.divsi %while3A_154, %while3A_156 : i32
        %while3A_158 = arith.muli %while3A_157, %while3A_156 : i32
        %while3A_159 = arith.addi %while3A_153, %while3A_158 : i32
        %while3A_160 = arith.constant 1 : i32
        scf.for %while3A_162 = %while3A_153 to %while3A_159 step %while3A_160  : i32 {
          %shift_right_logical3A_163 = arith.constant 3 : i32
          %shift_right_logical3A_164 = arith.shrui %while3A_162, %shift_right_logical3A_163 : i32
          %and3A_165 = arith.constant 7 : i32
          %and3A_166 = arith.andi %while3A_162, %and3A_165 : i32
          %mul3A_167 = arith.constant 16 : i32
          %mul3A_168 = arith.muli %and3A_166, %mul3A_167 : i32
          %get3A = arith.index_cast %shift_right_logical3A_164 : i32 to index
          %get3A_169 = arith.index_cast %mul3A_168 : i32 to index
          %get3A_170 = tpu.vector_load %arg8[%get3A, %get3A_169] {strides = array<i32>} : memref<48x128xi32, #tpu.memory_space<vmem>>, vector<16xi32>,
          %mul3A_171 = arith.constant 16 : i32
          %mul3A_172 = arith.muli %while3A_162, %mul3A_171 : i32
          %add3A_173 = vector.broadcast %mul3A_172 : i32 to vector<16xi32>
          %add3A_174 = arith.addi %add3A_173, %iota3A : vector<16xi32>
          %lt3A = vector.broadcast %scan3A_53#0 : i32 to vector<16xi32>
          %lt3A_175 = arith.cmpi slt, %add3A_174, %lt3A : vector<16xi32>
          %jit3A_176 = arith.constant 0 : i32
          %broadcast_in_dim3A_177 = vector.broadcast %jit3A_176 : i32 to vector<16xi32>
          %select_n3A_178 = arith.select %lt3A_175, %get3A_170, %broadcast_in_dim3A_177 : vector<16xi1>, vector<16xi32>
          tpu.vector_store_idx %arg13[%select_n3A_178], %broadcast_in_dim3A_0 masked %lt3A_175 : memref<20000xi32, #tpu.memory_space<vmem>>[vector<16xi32>], vector<16xi32>, vector<16xi1>
        }
        %while3A_161 = arith.constant 1 : i32
        scf.for %while3A_162 = %while3A_159 to %while3A_155 step %while3A_161  : i32 {
          %shift_right_logical3A_163 = arith.constant 3 : i32
          %shift_right_logical3A_164 = arith.shrui %while3A_162, %shift_right_logical3A_163 : i32
          %and3A_165 = arith.constant 7 : i32
          %and3A_166 = arith.andi %while3A_162, %and3A_165 : i32
          %mul3A_167 = arith.constant 16 : i32
          %mul3A_168 = arith.muli %and3A_166, %mul3A_167 : i32
          %get3A = arith.index_cast %shift_right_logical3A_164 : i32 to index
          %get3A_169 = arith.index_cast %mul3A_168 : i32 to index
          %get3A_170 = tpu.vector_load %arg8[%get3A, %get3A_169] {strides = array<i32>} : memref<48x128xi32, #tpu.memory_space<vmem>>, vector<16xi32>,
          %mul3A_171 = arith.constant 16 : i32
          %mul3A_172 = arith.muli %while3A_162, %mul3A_171 : i32
          %add3A_173 = vector.broadcast %mul3A_172 : i32 to vector<16xi32>
          %add3A_174 = arith.addi %add3A_173, %iota3A : vector<16xi32>
          %lt3A = vector.broadcast %scan3A_53#0 : i32 to vector<16xi32>
          %lt3A_175 = arith.cmpi slt, %add3A_174, %lt3A : vector<16xi32>
          %jit3A_176 = arith.constant 0 : i32
          %broadcast_in_dim3A_177 = vector.broadcast %jit3A_176 : i32 to vector<16xi32>
          %select_n3A_178 = arith.select %lt3A_175, %get3A_170, %broadcast_in_dim3A_177 : vector<16xi1>, vector<16xi32>
          tpu.vector_store_idx %arg13[%select_n3A_178], %broadcast_in_dim3A_0 masked %lt3A_175 : memref<20000xi32, #tpu.memory_space<vmem>>[vector<16xi32>], vector<16xi32>, vector<16xi1>
        }
      }
      %scan3A_33 = arith.constant 6 : i32
      %barrier3A_34 = arith.constant 0 : index
      tpu.barrier barrier_id(%barrier3A_34)
      %mul3A_35 = arith.constant 1250 : i32
      %mul3A_36 = arith.muli %arg1, %mul3A_35 : i32
      %mul3A_37 = arith.constant 1250 : i32
      %mul3A_38 = arith.muli %arg1, %mul3A_37 : i32
      %add3A_39 = arith.addi %mul3A_25, %mul3A_38 : i32
      "tpu.region"() ({
        %run_scoped3A = tpu.sem_alloc : memref<!tpu.dma_semaphore, #tpu.memory_space<semaphore_mem>>
        %dma_start3A = arith.constant 0 : i32
        %dma_start3A_41 = tpu.memref_slice %arg5[%add3A_39, %dma_start3A] : memref<160000x64xf32, #tpu.memory_space<hbm>> -> memref<1250x64xf32, #tpu.memory_space<hbm>>
        %dma_start3A_42 = arith.constant 0 : i32
        %dma_start3A_43 = tpu.memref_slice %arg14[%mul3A_36, %dma_start3A_42] : memref<20128x64xf32, #tpu.memory_space<vmem_shared>> -> memref<1250x64xf32, #tpu.memory_space<vmem_shared>>
        tpu.enqueue_dma source(%dma_start3A_43 : memref<1250x64xf32, #tpu.memory_space<vmem_shared>>) target(%dma_start3A_41 : memref<1250x64xf32, #tpu.memory_space<hbm>>) target_semaphore(%run_scoped3A : memref<!tpu.dma_semaphore, #tpu.memory_space<semaphore_mem>>)
        %dma_wait3A = arith.constant 0 : i32
        %dma_wait3A_44 = tpu.memref_slice %arg5[%add3A_39, %dma_wait3A] : memref<160000x64xf32, #tpu.memory_space<hbm>> -> memref<1250x64xf32, #tpu.memory_space<hbm>>
        %dma_wait3A_45 = arith.constant 0 : i32
        %dma_wait3A_46 = tpu.memref_slice %arg14[%mul3A_36, %dma_wait3A_45] : memref<20128x64xf32, #tpu.memory_space<vmem_shared>> -> memref<1250x64xf32, #tpu.memory_space<vmem_shared>>
        tpu.wait_dma2 semaphore(%run_scoped3A : memref<!tpu.dma_semaphore, #tpu.memory_space<semaphore_mem>>) src(%dma_wait3A_46 : memref<1250x64xf32, #tpu.memory_space<vmem_shared>>) dst(%dma_wait3A_44 : memref<1250x64xf32, #tpu.memory_space<hbm>>)
        tpu.yield
      }) : () -> ()
      %barrier3A_40 = arith.constant 0 : index
      tpu.barrier barrier_id(%barrier3A_40)
    }
    %scan3A_21 = arith.constant 4 : i32
    return
  }
}

#map = affine_map<(d0, d1) -> (0, 0)>
#map1 = affine_map<(d0, d1) -> (0)>
module attributes {stable_mosaic.version = 14 : i64} {
  func.func @_sc_gather(%arg0: i32, %arg1: i32, %arg2: memref<320000x64xf32, #tpu.memory_space<hbm>>, %arg3: memref<480000xi32, #tpu.memory_space<hbm>>, %arg4: memref<480000x64xf32, #tpu.memory_space<hbm>>, %arg5: memref<1000xi32, #tpu.memory_space<vmem>>, %arg6: memref<1000x64xf32, #tpu.memory_space<vmem>>, %arg7: memref<!tpu.dma_semaphore, #tpu.memory_space<semaphore_mem>>) attributes {dimension_semantics = [#tpu.dimension_semantics<core_parallel>, #tpu.dimension_semantics<subcore_parallel>], iteration_bounds = array<i64: 2, 16>, scalar_prefetch = 0 : i64, scratch_operands = 3 : i64, tpu.core_type = #tpu.core_type<sc_vector_subcore>, window_params = [{transform_indices = #map}, {transform_indices = #map1}, {transform_indices = #map}]} {
    %mul3A = arith.constant 2 : i32
    %mul3A_0 = arith.muli %arg1, %mul3A : i32
    %add3A = arith.addi %mul3A_0, %arg0 : i32
    %mul3A_1 = arith.constant 15000 : i32
    %mul3A_2 = arith.muli %add3A, %mul3A_1 : i32
    %scan3A = arith.constant 0 : i32
    %scan3A_3 = arith.constant 0 : i32
    %scan3A_4 = arith.constant 15 : i32
    %scan3A_5 = arith.addi %scan3A_3, %scan3A_4 : i32
    %scan3A_6 = arith.constant 1 : i32
    scf.for %scan3A_8 = %scan3A_3 to %scan3A_5 step %scan3A_6  : i32 {
      %mul3A_9 = arith.constant 1000 : i32
      %mul3A_10 = arith.muli %scan3A_8, %mul3A_9 : i32
      %add3A_11 = arith.addi %mul3A_2, %mul3A_10 : i32
      "tpu.region"() ({
        %run_scoped3A = tpu.sem_alloc : memref<!tpu.dma_semaphore, #tpu.memory_space<semaphore_mem>>
        %dma_start3A_16 = tpu.memref_slice %arg3[%add3A_11] : memref<480000xi32, #tpu.memory_space<hbm>> -> memref<1000xi32, #tpu.memory_space<hbm>>
        %dma_start3A_17 = tpu.memref_slice %arg3[%add3A_11] : memref<480000xi32, #tpu.memory_space<hbm>> -> memref<1000xi32, #tpu.memory_space<hbm>>
        tpu.enqueue_dma source(%dma_start3A_17 : memref<1000xi32, #tpu.memory_space<hbm>>) target(%arg5 : memref<1000xi32, #tpu.memory_space<vmem>>) target_semaphore(%run_scoped3A : memref<!tpu.dma_semaphore, #tpu.memory_space<semaphore_mem>>)
        %dma_wait3A_18 = tpu.memref_slice %arg3[%add3A_11] : memref<480000xi32, #tpu.memory_space<hbm>> -> memref<1000xi32, #tpu.memory_space<hbm>>
        %dma_wait3A_19 = tpu.memref_slice %arg3[%add3A_11] : memref<480000xi32, #tpu.memory_space<hbm>> -> memref<1000xi32, #tpu.memory_space<hbm>>
        tpu.wait_dma2 semaphore(%run_scoped3A : memref<!tpu.dma_semaphore, #tpu.memory_space<semaphore_mem>>) src(%dma_wait3A_19 : memref<1000xi32, #tpu.memory_space<hbm>>) dst(%arg5 : memref<1000xi32, #tpu.memory_space<vmem>>)
        tpu.yield
      }) : () -> ()
      %dma_start3A = arith.constant 0 : i32
      %dma_start3A_12 = arith.constant 0 : i32
      %dma_start3A_13 = tpu.memref_slice %arg2[%dma_start3A, %dma_start3A_12] : memref<320000x64xf32, #tpu.memory_space<hbm>> -> memref<320000x64xf32, #tpu.memory_space<hbm>>
      tpu.enqueue_indirect_dma source(%dma_start3A_13 : memref<320000x64xf32, #tpu.memory_space<hbm>>) target(%arg6 : memref<1000x64xf32, #tpu.memory_space<vmem>>) offsets(%arg5 : memref<1000xi32, #tpu.memory_space<vmem>>) semaphore(%arg7 : memref<!tpu.dma_semaphore, #tpu.memory_space<semaphore_mem>>)
      %dma_wait3A = arith.constant 0 : i32
      %dma_wait3A_14 = arith.constant 0 : i32
      %dma_wait3A_15 = tpu.memref_slice %arg2[%dma_wait3A, %dma_wait3A_14] : memref<320000x64xf32, #tpu.memory_space<hbm>> -> memref<320000x64xf32, #tpu.memory_space<hbm>>
      tpu.wait_indirect_dma semaphore(%arg7 : memref<!tpu.dma_semaphore, #tpu.memory_space<semaphore_mem>>) src(%dma_wait3A_15 : memref<320000x64xf32, #tpu.memory_space<hbm>>) dst(%arg6 : memref<1000x64xf32, #tpu.memory_space<vmem>>)
      "tpu.region"() ({
        %run_scoped3A = tpu.sem_alloc : memref<!tpu.dma_semaphore, #tpu.memory_space<semaphore_mem>>
        %dma_start3A_16 = arith.constant 0 : i32
        %dma_start3A_17 = tpu.memref_slice %arg4[%add3A_11, %dma_start3A_16] : memref<480000x64xf32, #tpu.memory_space<hbm>> -> memref<1000x64xf32, #tpu.memory_space<hbm>>
        %dma_start3A_18 = arith.constant 0 : i32
        %dma_start3A_19 = tpu.memref_slice %arg4[%add3A_11, %dma_start3A_18] : memref<480000x64xf32, #tpu.memory_space<hbm>> -> memref<1000x64xf32, #tpu.memory_space<hbm>>
        tpu.enqueue_dma source(%arg6 : memref<1000x64xf32, #tpu.memory_space<vmem>>) target(%dma_start3A_19 : memref<1000x64xf32, #tpu.memory_space<hbm>>) target_semaphore(%run_scoped3A : memref<!tpu.dma_semaphore, #tpu.memory_space<semaphore_mem>>)
        %dma_wait3A_20 = arith.constant 0 : i32
        %dma_wait3A_21 = tpu.memref_slice %arg4[%add3A_11, %dma_wait3A_20] : memref<480000x64xf32, #tpu.memory_space<hbm>> -> memref<1000x64xf32, #tpu.memory_space<hbm>>
        %dma_wait3A_22 = arith.constant 0 : i32
        %dma_wait3A_23 = tpu.memref_slice %arg4[%add3A_11, %dma_wait3A_22] : memref<480000x64xf32, #tpu.memory_space<hbm>> -> memref<1000x64xf32, #tpu.memory_space<hbm>>
        tpu.wait_dma2 semaphore(%run_scoped3A : memref<!tpu.dma_semaphore, #tpu.memory_space<semaphore_mem>>) src(%arg6 : memref<1000x64xf32, #tpu.memory_space<vmem>>) dst(%dma_wait3A_23 : memref<1000x64xf32, #tpu.memory_space<hbm>>)
        tpu.yield
      }) : () -> ()
    }
    %scan3A_7 = arith.constant 15 : i32
    return
  }
}

module attributes {stable_mosaic.version = 14 : i64} {
  func.func @_edges_body(%arg0: i32, %arg1: memref<2000x128xf32, #tpu.memory_space<vmem>>, %arg2: memref<2000x6xf32, #tpu.memory_space<vmem>>, %arg3: memref<128x128xf32, #tpu.memory_space<vmem>>, %arg4: memref<1x128xf32, #tpu.memory_space<vmem>>, %arg5: memref<128x128xf32, #tpu.memory_space<vmem>>, %arg6: memref<1x128xf32, #tpu.memory_space<vmem>>, %arg7: memref<6x8xf32, #tpu.memory_space<vmem>>, %arg8: memref<8x128xf32, #tpu.memory_space<vmem>>, %arg9: memref<128x64xf32, #tpu.memory_space<vmem>>, %arg10: memref<2000x128xf32, #tpu.memory_space<vmem>>, %arg11: memref<2000x128xf32, #tpu.memory_space<vmem>>) attributes {dimension_semantics = [#tpu.dimension_semantics<parallel>], iteration_bounds = array<i64: 80>, scalar_prefetch = 0 : i64, scratch_operands = 0 : i64, tpu.core_type = #tpu.core_type<tc>, window_params = [{transform_indices = @transform_0, window_bounds = array<i64: 2000, 128>}, {transform_indices = @transform_1, window_bounds = array<i64: 2000, 6>}, {pipeline_mode = #tpu.pipeline_mode<synchronous>, transform_indices = @transform_2, window_bounds = array<i64: 128, 128>}, {pipeline_mode = #tpu.pipeline_mode<synchronous>, transform_indices = @transform_3, window_bounds = array<i64: 1, 128>}, {pipeline_mode = #tpu.pipeline_mode<synchronous>, transform_indices = @transform_4, window_bounds = array<i64: 128, 128>}, {pipeline_mode = #tpu.pipeline_mode<synchronous>, transform_indices = @transform_5, window_bounds = array<i64: 1, 128>}, {pipeline_mode = #tpu.pipeline_mode<synchronous>, transform_indices = @transform_6, window_bounds = array<i64: 6, 8>}, {pipeline_mode = #tpu.pipeline_mode<synchronous>, transform_indices = @transform_7, window_bounds = array<i64: 8, 128>}, {pipeline_mode = #tpu.pipeline_mode<synchronous>, transform_indices = @transform_8, window_bounds = array<i64: 128, 64>}, {transform_indices = @transform_9, window_bounds = array<i64: 2000, 128>}, {transform_indices = @transform_10, window_bounds = array<i64: 2000, 128>}]} {
    %get3A = arith.constant 0 : index
    %get3A_0 = arith.constant 0 : index
    %get3A_1 = vector.load %arg1[%get3A, %get3A_0] : memref<2000x128xf32, #tpu.memory_space<vmem>>, vector<2000x128xf32>
    %get3A_2 = arith.constant 0 : index
    %get3A_3 = arith.constant 0 : index
    %get3A_4 = vector.load %arg3[%get3A_2, %get3A_3] : memref<128x128xf32, #tpu.memory_space<vmem>>, vector<128x128xf32>
    %dot_general3A = arith.constant dense<0.000000e+00> : vector<2000x128xf32>
    %dot_general3A_5 = tpu.matmul %get3A_1, %get3A_4, %dot_general3A {dimension_numbers = #tpu.dot_dimension_numbers<[1], [0], [0], [1], [0, 0, 1, 1], [], []>, transpose_lhs_hint = false} : vector<2000x128xf32>, vector<128x128xf32>, vector<2000x128xf32> -> vector<2000x128xf32>
    %get3A_6 = arith.constant 0 : index
    %get3A_7 = arith.constant 0 : index
    %get3A_8 = vector.load %arg4[%get3A_6, %get3A_7] : memref<1x128xf32, #tpu.memory_space<vmem>>, vector<1x128xf32>
    %add3A = vector.broadcast %get3A_8 : vector<1x128xf32> to vector<2000x128xf32>
    %add3A_9 = arith.addf %dot_general3A_5, %add3A : vector<2000x128xf32>
    %logistic3A = arith.negf %add3A_9 : vector<2000x128xf32>
    %logistic3A_10 = math.exp %logistic3A : vector<2000x128xf32>
    %logistic3A_11 = arith.constant 1.000000e+00 : f32
    %logistic3A_12 = vector.broadcast %logistic3A_11 : f32 to vector<2000x128xf32>
    %logistic3A_13 = arith.addf %logistic3A_12, %logistic3A_10 : vector<2000x128xf32>
    %logistic3A_14 = arith.divf %logistic3A_12, %logistic3A_13 : vector<2000x128xf32>
    %mul3A = arith.mulf %add3A_9, %logistic3A_14 : vector<2000x128xf32>
    %swap3A = arith.constant 0 : index
    %swap3A_15 = arith.constant 0 : index
    %swap3A_16 = vector.load %arg10[%swap3A, %swap3A_15] : memref<2000x128xf32, #tpu.memory_space<vmem>>, vector<2000x128xf32>
    tpu.vector_store %arg10[%swap3A, %swap3A_15], %mul3A {strides = array<i32>} : memref<2000x128xf32, #tpu.memory_space<vmem>>, vector<2000x128xf32>,
    %get3A_17 = arith.constant 0 : index
    %get3A_18 = arith.constant 0 : index
    %get3A_19 = vector.load %arg5[%get3A_17, %get3A_18] : memref<128x128xf32, #tpu.memory_space<vmem>>, vector<128x128xf32>
    %dot_general3A_20 = arith.constant dense<0.000000e+00> : vector<2000x128xf32>
    %dot_general3A_21 = tpu.matmul %get3A_1, %get3A_19, %dot_general3A_20 {dimension_numbers = #tpu.dot_dimension_numbers<[1], [0], [0], [1], [0, 0, 1, 1], [], []>, transpose_lhs_hint = false} : vector<2000x128xf32>, vector<128x128xf32>, vector<2000x128xf32> -> vector<2000x128xf32>
    %get3A_22 = arith.constant 0 : index
    %get3A_23 = arith.constant 0 : index
    %get3A_24 = vector.load %arg6[%get3A_22, %get3A_23] : memref<1x128xf32, #tpu.memory_space<vmem>>, vector<1x128xf32>
    %add3A_25 = vector.broadcast %get3A_24 : vector<1x128xf32> to vector<2000x128xf32>
    %add3A_26 = arith.addf %dot_general3A_21, %add3A_25 : vector<2000x128xf32>
    %get3A_27 = arith.constant 0 : index
    %get3A_28 = arith.constant 0 : index
    %get3A_29 = vector.load %arg2[%get3A_27, %get3A_28] : memref<2000x6xf32, #tpu.memory_space<vmem>>, vector<2000x6xf32>
    %get3A_30 = arith.constant 0 : index
    %get3A_31 = arith.constant 0 : index
    %get3A_32 = vector.load %arg7[%get3A_30, %get3A_31] : memref<6x8xf32, #tpu.memory_space<vmem>>, vector<6x8xf32>
    %dot_general3A_33 = arith.constant dense<0.000000e+00> : vector<2000x8xf32>
    %dot_general3A_34 = tpu.matmul %get3A_29, %get3A_32, %dot_general3A_33 {dimension_numbers = #tpu.dot_dimension_numbers<[1], [0], [0], [1], [0, 0, 1, 1], [], []>, transpose_lhs_hint = false} : vector<2000x6xf32>, vector<6x8xf32>, vector<2000x8xf32> -> vector<2000x8xf32>
    %get3A_35 = arith.constant 0 : index
    %get3A_36 = arith.constant 0 : index
    %get3A_37 = vector.load %arg8[%get3A_35, %get3A_36] : memref<8x128xf32, #tpu.memory_space<vmem>>, vector<8x128xf32>
    %dot_general3A_38 = arith.constant dense<0.000000e+00> : vector<2000x128xf32>
    %dot_general3A_39 = tpu.matmul %dot_general3A_34, %get3A_37, %dot_general3A_38 {dimension_numbers = #tpu.dot_dimension_numbers<[1], [0], [0], [1], [0, 0, 1, 1], [], []>, transpose_lhs_hint = false} : vector<2000x8xf32>, vector<8x128xf32>, vector<2000x128xf32> -> vector<2000x128xf32>
    %logistic3A_40 = arith.negf %add3A_26 : vector<2000x128xf32>
    %logistic3A_41 = math.exp %logistic3A_40 : vector<2000x128xf32>
    %logistic3A_42 = arith.constant 1.000000e+00 : f32
    %logistic3A_43 = vector.broadcast %logistic3A_42 : f32 to vector<2000x128xf32>
    %logistic3A_44 = arith.addf %logistic3A_43, %logistic3A_41 : vector<2000x128xf32>
    %logistic3A_45 = arith.divf %logistic3A_43, %logistic3A_44 : vector<2000x128xf32>
    %mul3A_46 = arith.mulf %add3A_26, %logistic3A_45 : vector<2000x128xf32>
    %mul3A_47 = arith.mulf %mul3A_46, %dot_general3A_39 : vector<2000x128xf32>
    %get3A_48 = arith.constant 0 : index
    %get3A_49 = arith.constant 0 : index
    %get3A_50 = vector.load %arg9[%get3A_48, %get3A_49] : memref<128x64xf32, #tpu.memory_space<vmem>>, vector<128x64xf32>
    %dot_general3A_51 = arith.constant dense<0.000000e+00> : vector<2000x64xf32>
    %dot_general3A_52 = tpu.matmul %mul3A_47, %get3A_50, %dot_general3A_51 {dimension_numbers = #tpu.dot_dimension_numbers<[1], [0], [0], [1], [0, 0, 1, 1], [], []>, transpose_lhs_hint = false} : vector<2000x128xf32>, vector<128x64xf32>, vector<2000x64xf32> -> vector<2000x64xf32>
    %logistic3A_53 = arith.negf %dot_general3A_52 : vector<2000x64xf32>
    %logistic3A_54 = math.exp %logistic3A_53 : vector<2000x64xf32>
    %logistic3A_55 = arith.constant 1.000000e+00 : f32
    %logistic3A_56 = vector.broadcast %logistic3A_55 : f32 to vector<2000x64xf32>
    %logistic3A_57 = arith.addf %logistic3A_56, %logistic3A_54 : vector<2000x64xf32>
    %logistic3A_58 = arith.divf %logistic3A_56, %logistic3A_57 : vector<2000x64xf32>
    %mul3A_59 = arith.mulf %dot_general3A_52, %logistic3A_58 : vector<2000x64xf32>
    %broadcast_in_dim3A = arith.constant 0.000000e+00 : f32
    %broadcast_in_dim3A_60 = vector.broadcast %broadcast_in_dim3A : f32 to vector<2000x64xf32>
    %concatenate3A = tpu.concatenate %mul3A_59, %broadcast_in_dim3A_60 in 1 : vector<2000x64xf32>, vector<2000x64xf32> -> vector<2000x128xf32>
    %swap3A_61 = arith.constant 0 : index
    %swap3A_62 = arith.constant 0 : index
    %swap3A_63 = vector.load %arg11[%swap3A_61, %swap3A_62] : memref<2000x128xf32, #tpu.memory_space<vmem>>, vector<2000x128xf32>
    tpu.vector_store %arg11[%swap3A_61, %swap3A_62], %concatenate3A {strides = array<i32>} : memref<2000x128xf32, #tpu.memory_space<vmem>>, vector<2000x128xf32>,
    return
  }
  func.func @transform_0(%arg0: i32) -> (i32, i32) {
    %c0_i32 = arith.constant 0 : i32
    %c0_i32_0 = arith.constant 0 : i32
    return %arg0, %c0_i32 : i32, i32
  }
  func.func @transform_1(%arg0: i32) -> (i32, i32) {
    %c0_i32 = arith.constant 0 : i32
    %c0_i32_0 = arith.constant 0 : i32
    return %arg0, %c0_i32 : i32, i32
  }
  func.func @transform_2(%arg0: i32) -> (i32, i32) {
    %c0_i32 = arith.constant 0 : i32
    %c0_i32_0 = arith.constant 0 : i32
    %c0_i32_1 = arith.constant 0 : i32
    return %c0_i32, %c0_i32_0 : i32, i32
  }
  func.func @transform_3(%arg0: i32) -> (i32, i32) {
    %c0_i32 = arith.constant 0 : i32
    %c0_i32_0 = arith.constant 0 : i32
    %c0_i32_1 = arith.constant 0 : i32
    return %c0_i32, %c0_i32_0 : i32, i32
  }
  func.func @transform_4(%arg0: i32) -> (i32, i32) {
    %c0_i32 = arith.constant 0 : i32
    %c0_i32_0 = arith.constant 0 : i32
    %c0_i32_1 = arith.constant 0 : i32
    return %c0_i32, %c0_i32_0 : i32, i32
  }
  func.func @transform_5(%arg0: i32) -> (i32, i32) {
    %c0_i32 = arith.constant 0 : i32
    %c0_i32_0 = arith.constant 0 : i32
    %c0_i32_1 = arith.constant 0 : i32
    return %c0_i32, %c0_i32_0 : i32, i32
  }
  func.func @transform_6(%arg0: i32) -> (i32, i32) {
    %c0_i32 = arith.constant 0 : i32
    %c0_i32_0 = arith.constant 0 : i32
    %c0_i32_1 = arith.constant 0 : i32
    return %c0_i32, %c0_i32_0 : i32, i32
  }
  func.func @transform_7(%arg0: i32) -> (i32, i32) {
    %c0_i32 = arith.constant 0 : i32
    %c0_i32_0 = arith.constant 0 : i32
    %c0_i32_1 = arith.constant 0 : i32
    return %c0_i32, %c0_i32_0 : i32, i32
  }
  func.func @transform_8(%arg0: i32) -> (i32, i32) {
    %c0_i32 = arith.constant 0 : i32
    %c0_i32_0 = arith.constant 0 : i32
    %c0_i32_1 = arith.constant 0 : i32
    return %c0_i32, %c0_i32_0 : i32, i32
  }
  func.func @transform_9(%arg0: i32) -> (i32, i32) {
    %c0_i32 = arith.constant 0 : i32
    %c0_i32_0 = arith.constant 0 : i32
    return %arg0, %c0_i32 : i32, i32
  }
  func.func @transform_10(%arg0: i32) -> (i32, i32) {
    %c0_i32 = arith.constant 0 : i32
    %c0_i32_0 = arith.constant 0 : i32
    return %arg0, %c0_i32 : i32, i32
  }
}

module attributes {stable_mosaic.version = 14 : i64} {
  func.func @_prod_body(%arg0: i32, %arg1: memref<2000x84xf32, #tpu.memory_space<vmem>>, %arg2: memref<2000x128xf32, #tpu.memory_space<vmem>>, %arg3: memref<84x128xf32, #tpu.memory_space<vmem>>, %arg4: memref<128x128xf32, #tpu.memory_space<vmem>>, %arg5: memref<2000x128xf32, #tpu.memory_space<vmem>>) attributes {dimension_semantics = [#tpu.dimension_semantics<parallel>], iteration_bounds = array<i64: 120>, scalar_prefetch = 0 : i64, scratch_operands = 0 : i64, tpu.core_type = #tpu.core_type<tc>, window_params = [{transform_indices = @transform_0, window_bounds = array<i64: 2000, 84>}, {transform_indices = @transform_1, window_bounds = array<i64: 2000, 128>}, {pipeline_mode = #tpu.pipeline_mode<synchronous>, transform_indices = @transform_2, window_bounds = array<i64: 84, 128>}, {pipeline_mode = #tpu.pipeline_mode<synchronous>, transform_indices = @transform_3, window_bounds = array<i64: 128, 128>}, {transform_indices = @transform_4, window_bounds = array<i64: 2000, 128>}]} {
    %get3A = arith.constant 0 : index
    %get3A_0 = arith.constant 0 : index
    %get3A_1 = vector.load %arg1[%get3A, %get3A_0] : memref<2000x84xf32, #tpu.memory_space<vmem>>, vector<2000x84xf32>
    %get3A_2 = arith.constant 0 : index
    %get3A_3 = arith.constant 0 : index
    %get3A_4 = vector.load %arg3[%get3A_2, %get3A_3] : memref<84x128xf32, #tpu.memory_space<vmem>>, vector<84x128xf32>
    %dot_general3A = arith.constant dense<0.000000e+00> : vector<2000x128xf32>
    %dot_general3A_5 = tpu.matmul %get3A_1, %get3A_4, %dot_general3A {dimension_numbers = #tpu.dot_dimension_numbers<[1], [0], [0], [1], [0, 0, 1, 1], [], []>, transpose_lhs_hint = false} : vector<2000x84xf32>, vector<84x128xf32>, vector<2000x128xf32> -> vector<2000x128xf32>
    %get3A_6 = arith.constant 0 : index
    %get3A_7 = arith.constant 0 : index
    %get3A_8 = vector.load %arg4[%get3A_6, %get3A_7] : memref<128x128xf32, #tpu.memory_space<vmem>>, vector<128x128xf32>
    %dot_general3A_9 = arith.constant dense<0.000000e+00> : vector<2000x128xf32>
    %dot_general3A_10 = tpu.matmul %dot_general3A_5, %get3A_8, %dot_general3A_9 {dimension_numbers = #tpu.dot_dimension_numbers<[1], [0], [0], [1], [0, 0, 1, 1], [], []>, transpose_lhs_hint = false} : vector<2000x128xf32>, vector<128x128xf32>, vector<2000x128xf32> -> vector<2000x128xf32>
    %get3A_11 = arith.constant 0 : index
    %get3A_12 = arith.constant 0 : index
    %get3A_13 = vector.load %arg2[%get3A_11, %get3A_12] : memref<2000x128xf32, #tpu.memory_space<vmem>>, vector<2000x128xf32>
    %mul3A = arith.mulf %dot_general3A_10, %get3A_13 : vector<2000x128xf32>
    %swap3A = arith.constant 0 : index
    %swap3A_14 = arith.constant 0 : index
    %swap3A_15 = vector.load %arg5[%swap3A, %swap3A_14] : memref<2000x128xf32, #tpu.memory_space<vmem>>, vector<2000x128xf32>
    tpu.vector_store %arg5[%swap3A, %swap3A_14], %mul3A {strides = array<i32>} : memref<2000x128xf32, #tpu.memory_space<vmem>>, vector<2000x128xf32>,
    return
  }
  func.func @transform_0(%arg0: i32) -> (i32, i32) {
    %c0_i32 = arith.constant 0 : i32
    %c0_i32_0 = arith.constant 0 : i32
    return %arg0, %c0_i32 : i32, i32
  }
  func.func @transform_1(%arg0: i32) -> (i32, i32) {
    %c0_i32 = arith.constant 0 : i32
    %c0_i32_0 = arith.constant 0 : i32
    return %arg0, %c0_i32 : i32, i32
  }
  func.func @transform_2(%arg0: i32) -> (i32, i32) {
    %c0_i32 = arith.constant 0 : i32
    %c0_i32_0 = arith.constant 0 : i32
    %c0_i32_1 = arith.constant 0 : i32
    return %c0_i32, %c0_i32_0 : i32, i32
  }
  func.func @transform_3(%arg0: i32) -> (i32, i32) {
    %c0_i32 = arith.constant 0 : i32
    %c0_i32_0 = arith.constant 0 : i32
    %c0_i32_1 = arith.constant 0 : i32
    return %c0_i32, %c0_i32_0 : i32, i32
  }
  func.func @transform_4(%arg0: i32) -> (i32, i32) {
    %c0_i32 = arith.constant 0 : i32
    %c0_i32_0 = arith.constant 0 : i32
    return %arg0, %c0_i32 : i32, i32
  }
}

module attributes {stable_mosaic.version = 14 : i64} {
  func.func @_final_body(%arg0: i32, %arg1: memref<2000x64xf32, #tpu.memory_space<vmem>>, %arg2: memref<2000x128xf32, #tpu.memory_space<vmem>>, %arg3: memref<64x128xf32, #tpu.memory_space<vmem>>, %arg4: memref<2000x128xf32, #tpu.memory_space<vmem>>) attributes {dimension_semantics = [#tpu.dimension_semantics<parallel>], iteration_bounds = array<i64: 80>, scalar_prefetch = 0 : i64, scratch_operands = 0 : i64, tpu.core_type = #tpu.core_type<tc>, window_params = [{transform_indices = @transform_0, window_bounds = array<i64: 2000, 64>}, {transform_indices = @transform_1, window_bounds = array<i64: 2000, 128>}, {pipeline_mode = #tpu.pipeline_mode<synchronous>, transform_indices = @transform_2, window_bounds = array<i64: 64, 128>}, {transform_indices = @transform_3, window_bounds = array<i64: 2000, 128>}]} {
    %get3A = arith.constant 0 : index
    %get3A_0 = arith.constant 0 : index
    %get3A_1 = vector.load %arg1[%get3A, %get3A_0] : memref<2000x64xf32, #tpu.memory_space<vmem>>, vector<2000x64xf32>
    %get3A_2 = arith.constant 0 : index
    %get3A_3 = arith.constant 0 : index
    %get3A_4 = vector.load %arg3[%get3A_2, %get3A_3] : memref<64x128xf32, #tpu.memory_space<vmem>>, vector<64x128xf32>
    %dot_general3A = arith.constant dense<0.000000e+00> : vector<2000x128xf32>
    %dot_general3A_5 = tpu.matmul %get3A_1, %get3A_4, %dot_general3A {dimension_numbers = #tpu.dot_dimension_numbers<[1], [0], [0], [1], [0, 0, 1, 1], [], []>, transpose_lhs_hint = false} : vector<2000x64xf32>, vector<64x128xf32>, vector<2000x128xf32> -> vector<2000x128xf32>
    %get3A_6 = arith.constant 0 : index
    %get3A_7 = arith.constant 0 : index
    %get3A_8 = vector.load %arg2[%get3A_6, %get3A_7] : memref<2000x128xf32, #tpu.memory_space<vmem>>, vector<2000x128xf32>
    %logistic3A = arith.negf %dot_general3A_5 : vector<2000x128xf32>
    %logistic3A_9 = math.exp %logistic3A : vector<2000x128xf32>
    %logistic3A_10 = arith.constant 1.000000e+00 : f32
    %logistic3A_11 = vector.broadcast %logistic3A_10 : f32 to vector<2000x128xf32>
    %logistic3A_12 = arith.addf %logistic3A_11, %logistic3A_9 : vector<2000x128xf32>
    %logistic3A_13 = arith.divf %logistic3A_11, %logistic3A_12 : vector<2000x128xf32>
    %mul3A = arith.mulf %dot_general3A_5, %logistic3A_13 : vector<2000x128xf32>
    %add3A = arith.addf %get3A_8, %mul3A : vector<2000x128xf32>
    %swap3A = arith.constant 0 : index
    %swap3A_14 = arith.constant 0 : index
    %swap3A_15 = vector.load %arg4[%swap3A, %swap3A_14] : memref<2000x128xf32, #tpu.memory_space<vmem>>, vector<2000x128xf32>
    tpu.vector_store %arg4[%swap3A, %swap3A_14], %add3A {strides = array<i32>} : memref<2000x128xf32, #tpu.memory_space<vmem>>, vector<2000x128xf32>,
    return
  }
  func.func @transform_0(%arg0: i32) -> (i32, i32) {
    %c0_i32 = arith.constant 0 : i32
    %c0_i32_0 = arith.constant 0 : i32
    return %arg0, %c0_i32 : i32, i32
  }
  func.func @transform_1(%arg0: i32) -> (i32, i32) {
    %c0_i32 = arith.constant 0 : i32
    %c0_i32_0 = arith.constant 0 : i32
    return %arg0, %c0_i32 : i32, i32
  }
  func.func @transform_2(%arg0: i32) -> (i32, i32) {
    %c0_i32 = arith.constant 0 : i32
    %c0_i32_0 = arith.constant 0 : i32
    %c0_i32_1 = arith.constant 0 : i32
    return %c0_i32, %c0_i32_0 : i32, i32
  }
  func.func @transform_3(%arg0: i32) -> (i32, i32) {
    %c0_i32 = arith.constant 0 : i32
    %c0_i32_0 = arith.constant 0 : i32
    return %arg0, %c0_i32 : i32, i32
  }
}

</mosaic_0001>

<sc_bundles>
// kernel: kernel.10.cloned.1.call-start
scs
__scs_entry_jumppad:
0x0: {  	(pc) =	sbr.rel $0x88, $3  }
0x1: {  	(tag) =	ssettag $0x0;
	lr =	simm.s32 $0x1  }
0x2: {  	[smem:$0x3F92] =	sst lr;
	_ =	strace $0xD0000000  }
0x3: {  	_ = 	snop  }
0x4: {  	_ = 	snop  }
0x5: {  	_ = 	snop  }
0x6: {  	_ = 	snop  }
0x7: {  	_ = 	snop  }
__scs_overlays_trampoline_lowered:
0x8: {  	[smem:$0x3FA1] =	sst s0  }
0x9: {  	[smem:$0x3FA2] =	sst s1  }
0xa: {  	[smem:$0x3FA3] =	sst s2  }
0xb: {  	[smem:$0x3FA4] =	sst s3  }
0xc: {  	[smem:$0x3FA5] =	sst s4  }
0xd: {  	[smem:$0x3FA6] =	sst s5  }
0xe: {  	[smem:$0x3FA7] =	sst s6  }
0xf: {  	[smem:$0x3FA8] =	sst s7  }
0x10: {  	[smem:$0x3FA9] =	sst s8  }
0x11: {  	[smem:$0x3FAA] =	sst s9;
	s0 =	simm.s32 @!p0 $0x0  }
0x12: {  	s1 =	sld [smem:$0x3F90];
	s0 =	simm.s32 @p0 $0x1  }
0x13: {  	[smem:$0x3FAB] =	sst s0;
	s0 =	simm.s32 @!p1 $0x0  }
0x14: {  	s2 =	sld [smem:$0x3F8F];
	s0 =	simm.s32 @p1 $0x1  }
0x15: {  	[smem:$0x3FAC] =	sst s0;
	s0 =	simm.s32 @!p2 $0x0  }
0x16: {  	s3 =	sld [smem:$0x3FDB];
	s0 =	simm.s32 @p2 $0x1  }
0x17: {  	s4 =	simm.s32 $0x1BF5;
	[smem:$0x3FAE] =	sst s0  }
0x18: {  	s0 =	sld [smem:$0x3F91];
	_ =	swait.ge [sflag:s4], $0x0  }
0x19: {  	s7 =	sld [smem:$0x3F92]  }
0x1a: {  	s8 =	sadd.s32 $0xFFFFE003, lr  }
0x1b: {  	s9 =	sadd.s32 $0xFFFFFEF7, lr;
	s5 =	simm.s32 $0xFFFFFFFF;
	p2 =	slt.u32 s8, $0xFFFFF086  }
0x1c: {  	p1 =	slt.u32 s9, $0xF7A;
	s5 =	simm.s32 @!p2 $0x0  }
0x1d: {  	s5 =	simm.s32 @p1 $0x1;
	p0 =	seq.s32 s7, s2  }
0x1e: {  	s7 =	smul.u32 @!p0 $0xF7A, s2;
	p2 =	seq.s32 @!p0 s5, $0x0  }
0x1f: {  	s9 =	smul.u32 $0xF7A, s1;
	s8 =	simm.s32 @!p0 $0x1BF5;
	p2 =	por !p2, p0  }
0x20: {  	[sflag:s8] =	ssyncset.s32 @!p0 $0xFFFFF086;
	s6 =	sadd.s32 @!p0 s3, s7;
	s7 =	simm.s32 @!p0 $0x108  }
0x21: {  	s3 =	sadd.s32 s3, s9;
	s6 =	sadd.s32 @!p0 $0x88, s6;
	s7 =	simm.s32 @p2 $0x1082  }
0x22: {  	[simem:s7], [sflag:s8] =	dma.local @!p0 [hbm:s6], $0xF7A  }
0x23: {  	s9 =	sor.u32 $0xD0000000, s2;
	s6 =	simm.s32 $0x108;
	_ =	swait.ge @!p0 [sflag:s8], $0x0  }
0x24: {  	s3 =	sadd.s32 $0x88, s3;
	s6 =	simm.s32 @!p1 $0x1082;
	[sflag:s4] =	ssyncset.s32 $0xFFFFF086  }
0x25: {  	[simem:s6], [sflag:s4] =	dma.local [hbm:s3], $0xF7A  }
0x26: {  	[smem:$0x3F92] =	sst s1;
	(tag) =	ssettag s2;
	_ =	strace s9  }
0x27: {  	s1 =	sld [smem:$0x3FA2]  }
0x28: {  	s2 =	sld [smem:$0x3FA3]  }
0x29: {  	s4 =	sld [smem:$0x3FA5]  }
0x2a: {  	p0 =	seq.s32 s5, $0x0;
	s5 =	sld [smem:$0x3FA6]  }
0x2b: {  	s6 =	sld [smem:$0x3FA7]  }
0x2c: {  	s7 =	sld [smem:$0x3FA8]  }
0x2d: {  	s3 =	simm.s32 $0x108;
	s8 =	sld [smem:$0x3FA9]  }
0x2e: {  	s3 =	simm.s32 @!p0 $0x1082;
	s9 =	sld [smem:$0x3FAA]  }
0x2f: {  	lr =	sadd.s32 s0, s3;
	s0 =	sld [smem:$0x3FA1]  }
0x30: {  	s3 =	sld [smem:$0x3FA4]  }
0x31: {  	[smem:$0x3FAD] =	sst s10  }
0x32: {  	s10 =	sld [smem:$0x3FAB];
	_ =	sdelay $0x3  }
0x33: {  	p0 =	seq.s32 s10, $0x1;
	s10 =	sld [smem:$0x3FAD];
	_ =	sdelay $0x3  }
0x34: {  	[smem:$0x3FAD] =	sst s10  }
0x35: {  	s10 =	sld [smem:$0x3FAC];
	_ =	sdelay $0x3  }
0x36: {  	p1 =	seq.s32 s10, $0x1;
	s10 =	sld [smem:$0x3FAD];
	_ =	sdelay $0x3  }
0x37: {  	[smem:$0x3FAD] =	sst s10  }
0x38: {  	s10 =	sld [smem:$0x3FAE]  }
0x39: {  	_ = 	snop;
	(pc) =	sbr.ind lr, $3  }
0x3a: {  	_ = 	snop  }
0x3b: {  	_ = 	snop  }
0x3c: {  	p2 =	seq.s32 s10, $0x1;
	s10 =	sld [smem:$0x3FAD]  }
0x3d: {  	_ =	shalt  }
0x3e: {  	_ =	shalt  }
0x3f: {  	_ =	shalt  }
0x40: {  	_ =	shalt  }
0x41: {  	_ =	shalt  }
0x42: {  	_ =	shalt  }
0x43: {  	_ =	shalt  }
0x44: {  	_ =	shalt  }
0x45: {  	_ =	shalt  }
0x46: {  	_ =	shalt  }
0x47: {  	_ =	shalt  }
0x48: {  	_ =	shalt  }
0x49: {  	_ =	shalt  }
0x4a: {  	_ =	shalt  }
0x4b: {  	_ =	shalt  }
0x4c: {  	_ =	shalt  }
0x4d: {  	_ =	shalt  }
0x4e: {  	_ =	shalt  }
0x4f: {  	_ =	shalt  }
0x50: {  	_ =	shalt  }
0x51: {  	_ =	shalt  }
0x52: {  	_ =	shalt  }
0x53: {  	_ =	shalt  }
0x54: {  	_ =	shalt  }
0x55: {  	_ =	shalt  }
0x56: {  	_ =	shalt  }
0x57: {  	_ =	shalt  }
0x58: {  	_ =	shalt  }
0x59: {  	_ =	shalt  }
0x5a: {  	_ =	shalt  }
0x5b: {  	_ =	shalt  }
0x5c: {  	_ =	shalt  }
0x5d: {  	_ =	shalt  }
0x5e: {  	_ =	shalt  }
0x5f: {  	_ =	shalt  }
0x60: {  	_ =	shalt  }
0x61: {  	_ =	shalt  }
0x62: {  	_ =	shalt  }
0x63: {  	_ =	shalt  }
0x64: {  	_ =	shalt  }
0x65: {  	_ =	shalt  }
0x66: {  	_ =	shalt  }
0x67: {  	_ =	shalt  }
0x68: {  	_ =	shalt  }
0x69: {  	_ =	shalt  }
0x6a: {  	_ =	shalt  }
0x6b: {  	_ =	shalt  }
0x6c: {  	_ =	shalt  }
0x6d: {  	_ =	shalt  }
0x6e: {  	_ =	shalt  }
0x6f: {  	_ =	shalt  }
0x70: {  	_ =	shalt  }
0x71: {  	_ =	shalt  }
0x72: {  	_ =	shalt  }
0x73: {  	_ =	shalt  }
0x74: {  	_ =	shalt  }
0x75: {  	_ =	shalt  }
0x76: {  	_ =	shalt  }
0x77: {  	_ =	shalt  }
0x78: {  	_ =	shalt  }
0x79: {  	_ =	shalt  }
0x7a: {  	_ =	shalt  }
0x7b: {  	_ =	shalt  }
0x7c: {  	_ =	shalt  }
0x7d: {  	_ =	shalt  }
0x7e: {  	_ =	shalt  }
0x7f: {  	_ =	shalt  }
0x80: {  	_ =	shalt  }
0x81: {  	_ =	shalt  }
0x82: {  	_ =	shalt  }
0x83: {  	_ =	shalt  }
0x84: {  	_ =	shalt  }
0x85: {  	_ =	shalt  }
0x86: {  	_ =	shalt  }
0x87: {  	_ =	shalt  }
.Lfunc_end0:
.L_simem_size_0:
called_computation.1_lowered:
.L_overlay_start_0:
0x88: {  	s2 =	sld [smem:$0x3FD9]  }
0x89: {  	s3 =	sld [smem:$0x3FFE];
	_ =	sdelay $0x1  }
0x8a: {  	s1 =	srdreg.scid  }
0x8b: {  	s0 =	sand.u32 $0x1, s1  }
0x8c: {  	s17 =	sshll.u32 s0, $0xA;
	s2 =	sadd.s32 s3, s2  }
0x8d: {  	s2 =	sadd.s32 s2, s17  }
0x8e: {  	[smem:$0x3FB9] =	sst s2  }
0x8f: {  	_ = 	snop  }
0x90: {  	s2 =	sld [smem:$0x3FC5]  }
0x91: {  	s18 =	sld [smem:$0x3FD0];
	(tm) =	ssettm $0x1  }
0x92: {  	s4 =	sld [smem:$0x3FFB];
	_ =	sdelay $0x3  }
0x93: {  	_ =	strace s4  }
0x94: {  	s4 =	sld [smem:$0x3FFC];
	_ =	sdelay $0x3  }
0x95: {  	_ =	strace s4  }
0x96: {  	s4 =	sld [smem:$0x3FFD];
	_ =	sdelay $0x3  }
0x97: {  	_ =	strace s4  }
0x98: {  	_ =	strace $0x8FFFFFFF  }
0x99: {  	s19 =	sld [smem:$0x3FDB];
	_ =	sdelay $0x1  }
0x9a: {  	s5 =	simm.s32 $_scs_section_size  }
0x9b: {  	s6 =	simm.s32 $_size__tile_overlayer_lowered;
	s7 =	simm.s32 $_tile_overlayer_lowered  }
0x9c: {  	s22 =	simm.s32 $0x1BFF;
	s21 =	sshll.u32 s7, $0x1;
	s4 =	sadd.s32 s5, s19  }
0x9d: {  	s8 =	simm.s32 $0x0;
	s20 =	sshll.u32 s6, $0x1;
	s6 =	sadd.s32 s21, s4  }
0x9e: {  	[timem:s8], [sflag:s22] =	dma.local [hbm:s6], s20  }
0x9f: {  	_ =	swait.ge [sflag:s22], s20  }
0xa0: {  	s5 =	ssub.s32 $0x0, s20;
	[sflag:s22] =	ssyncset.done $0x0  }
0xa1: {  	[sflag:s22] =	ssyncadd.s32 s5;
	_ =	sdelay $0x1  }
0xa2: {  	s23 =	simm.s32 $0x1B8B  }
0xa3: {  	_ =	swait.ge [sflag:s23], $0x1  }
0xa4: {  	[sflag:s23] =	ssyncset.done $0x0  }
0xa5: {  	s25 =	simm.s32 $0x1B8E;
	s24 =	sld [smem:$0x3FFE];
	[sflag:s23] =	ssyncadd.s32 $0xFFFFFFFF  }
0xa6: {  	s26 =	simm.s32 $execute0_lowered;
	[smem:$0x3FD2] =	sst s25  }
0xa7: {  	s6 =	sshll.u32 s26, $0x1;
	_ =	strace $0x80000049;
	[dreg:$0x1] =	wrdreg $0xFFFFFFFF  }
0xa8: {  	s28 =	simm.s32 $_size_execute0_lowered;
	s4 =	sadd.s32 s4, s6;
	[dreg:$0x0] =	wrdreg $0x0  }
0xa9: {  	s6 =	sshll.u32 s28, $0x1;
	[dreg:$0x2] =	wrdreg s4  }
0xaa: {  	[dreg:$0x3] =	wrdreg s6  }
0xab: {  	[dreg:$0x4] =	wrdreg $0xC0  }
0xac: {  	_ =	task [dreg:s8], $0x5FFFF  }
0xad: {  	[dreg:$0x1] =	wrdreg $0xFFFFFFFF  }
0xae: {  	[dreg:$0x0] =	wrdreg $0x60  }
0xaf: {  	[dreg:$0x2] =	wrdreg s24  }
0xb0: {  	[dreg:$0x3] =	wrdreg s2  }
0xb1: {  	[dreg:$0x4] =	wrdreg s18  }
0xb2: {  	[dreg:$0x5] =	wrdreg $0xB5C80  }
0xb3: {  	[dreg:$0x6] =	wrdreg $0x9  }
0xb4: {  	_ =	task.clear_ibuf [dreg:s8], $0x7FFFF;
	_ =	strace $0x90000049  }
0xb5: {  	s29 =	simm.s32 $0x9;
	_ =	strace $0x8000004B  }
0xb6: {  	_ =	swait.ge [sflag:s29], $0x1  }
0xb7: {  	[sflag:s29] =	ssyncadd.s32 $0xFFFFFFFF  }
0xb8: {  	_ =	strace $0x9000004B  }
0xb9: {  	_ =	sfence  }
0xba: {  	s30 =	sld [smem:$0x0];
	_ =	sdelay $0x2  }
0xbb: {  	s31 =	sshll.u32 s1, $0xD;
	s1 =	sshrl.u32 s1, $0x2  }
0xbc: {  	s3 =	sand.u32 $0x4000, s31;
	s1 =	sadd.s32 s1, s30  }
0xbd: {  	s0 =	sor.u32 s3, s0;
	s1 =	sshll.u32 s1, $0x11  }
0xbe: {  	s0 =	sor.u32 s1, s0  }
0xbf: {  	s0 =	sadd.s32 $0x8F2B, s0  }
0xc0: {  	[sflag:s0] =	ssyncadd.remote.s32 $0x1  }
0xc1: {  	_ =	sfence.sel $0xFFFF  }
0xc2: {  	[dreg:$0x0] =	wrdreg $0xFFFFFFFF;
	(pc) =	sbr.abs _section_cstart, $3  }
0xc3: {  	[dreg:$0x1] =	wrdreg $0xFFFFFFFF  }
0xc4: {  	_ =	task.clear_ibuf [dreg:s8], $0x2FFFF;
	_ =	strace $0x9FFFFFFF  }
0xc5: {  	(tm) =	ssettm $0x7FFFFFFF  }
tec
execute0_lowered:
.L_overlay_start_1:
0x0: {  	(tag) =	ssettag $0x1  }
0x1: {  	s0 =	rddreg [dreg:$0x0]  }
0x2: {  	s1 =	rddreg [dreg:$0x1];
	s11 =	simm.s32 $0x0  }
0x3: {  	[smem:$0x7FF] =	sst s11  }
0x4: {  	s3 =	rddreg [dreg:$0x3];
	v0 =	vimm.s32 $0x0;
	_ =	strace $0x8000004A  }
0x5: {  	(xrf1) =	vunique.msk.u32 $0xffff, v0;
	_ =	sdelay $0xd  }
0x6: {  	vm0 =	vmmov $0x1;
	_, v1, _ =	vpop (xrf1)  }
0x7: {  	v1 =	vnsel vm0, $0x0, v1  }
0x8: {  	(xrf0) =	vadd.scan.msk.s32 $0xffff, v1;
	_ =	sdelay $0x5  }
0x9: {  	v1, _, _ =	vpop (xrf0)  }
0xa: {  	(v2sf) =	vpush v1, $0xF;
	_ =	sdelay $0x3  }
0xb: {  	s2 =	srdreg.scid  }
0xc: {  	s12 =	stileid.u32;
	s14 =	simm.s32 $0x2;
	s15 =	simm.s32 $0x67A8  }
0xd: {  	s16 =	simm.s32 $0x2B88;
	s17 =	simm.s32 $0x1388;
	s18 =	simm.s32 $0x10  }
0xe: {  	s19 =	simm.s32 $0x6788;
	s20 =	simm.s32 $0x6388;
	s21 =	simm.s32 $0x1  }
0xf: {  	s22 =	simm.s32 $0x6798;
	s24 =	simm.s32 $0x80;
	s8 =	smul.u32 $0x4EA00, s12  }
0x10: {  	s2 =	sand.u32 $0x1, s2;
	s6 =	sadd.s32 $0x89C400, s0;
	s29 =	smul.u32 $0x4E200, s12;
	v1 =	vlaneseq.u32  }
0x11: {  	s0 =	sadd.s32 $0x2000, s0;
	s30 =	sshll.u32 s12, $0x6;
	s9 =	smul.u32 $0x7530, s12;
	v3 =	vor.u32 $0x4E20, v1;
	v4 =	vadd.s32 $0x1, v1;
	v5 =	vadd.s32 $0x11, v1  }
0x12: {  	s31 =	smul.u32 $0x4E2, s12;
	s4 =	ssub.s32 $0x2, s2;
	[dreg:$0x6] =	wrdreg s0;
	v6 =	vor.u32 $0x10, v1;
	v7 =	vor.u32 $0x4E30, v1;
	v8 =	vadd.s32 $0x21, v1  }
0x13: {  	s2 =	sshll.u32 s2, $0x2;
	s10 =	sor.u32 $0x1C02, s30;
	s5 =	sshrl.u32 s4, $0x1;
	v9 =	vor.u32 $0x20, v1;
	v10 =	vor.u32 $0x4E40, v1;
	v11 =	vadd.s32 $0x31, v1  }
.Ltmp0:
0x14: {  	[dreg:$0x7] =	wrdreg s2;
	s28 =	sshrl.u32 s8, $0x2;
	v12 =	vor.u32 $0x30, v1;
	v13 =	vor.u32 $0x4E50, v1;
	v14 =	vadd.s32 $0x41, v1;
	(pc) =	sbr.rel .LBB2_1-.Ltmp0, $4  }
0x15: {  	[dreg:$0x8] =	wrdreg s31;
	s25 =	ssub.s32 s4, s5;
	s4 =	sshrl.u32 s29, $0x2;
	v15 =	vor.u32 $0x40, v1;
	v16 =	vor.u32 $0x4E60, v1;
	v17 =	vadd.s32 $0x51, v1  }
0x16: {  	s2 =	sadd.s32 s28, s3;
	s4 =	sadd.s32 s4, s3;
	v18 =	vor.u32 $0x50, v1;
	v19 =	vor.u32 $0x4E70, v1;
	v20 =	vadd.s32 $0x61, v1;
	s7 =	spop (v2sf)  }
0x17: {  	s0 =	smax.u32 s25, $0x1;
	s13 =	sshrl.u32 s2, $0x3;
	v21 =	vor.u32 $0x60, v1;
	v22 =	vor.u32 $0x4E80, v1;
	v23 =	vadd.s32 $0x71, v1;
	s26 =	ssub.s32 $0x1, s7  }
0x18: {  	s25 =	simm.s32 $0x4388;
	[dreg:$0x9] =	wrdreg s0;
	s23 =	sshrl.u32 s4, $0x3;
	v24 =	vor.u32 $0x70, v1;
	v25 =	vor.u32 $0x4E90, v1;
	v2 =	vmov s26  }
.LBB2_33:
0x19: {  	s11 =	rddreg [dreg:$0x5]  }
0x1a: {  	s0 =	rddreg [dreg:$0x9];
	s11 =	sadd.s32 $0x1, s11  }
0x1b: {  	p0 =	sne.s32 s11, s0  }
.Ltmp1:
0x1c: {  	_ = 	snop;
	(pc) =	sbr.rel @!p0 .LBB2_34-.Ltmp1, $1  }
0x1d: {  	_ =	sdelay $0x3  }
.LBB2_1:
0x1e: {  	[dreg:$0x5] =	wrdreg s11;
	s0 =	simm.s32 $0x40;
	s2 =	simm.s32 $0x0  }
.LBB2_2:
0x1f: {  	p0 =	sne.s32 s0, $0x13840;
	[tilespmem:s2+$0x67A8] =	vst v0;
	s2 =	smov.u32 s0;
	s0 =	sadd.s32 $0x40, s0  }
.Ltmp2:
0x20: {  	(pc) =	sbr.rel @p0 .LBB2_2-.Ltmp2, $2  }
0x21: {  	_ =	sdelay $0x2  }
0x22: {  	s2 =	sshra.s32 s2, $0x2  }
.Ltmp3:
0x23: {  	(pc) =	sbr.rel .LBB2_4-.Ltmp3, $2  }
0x24: {  	_ =	sdelay $0x2  }
0x25: {  	[tilespmem:s2+$0x67A8] =	vst v0;
	s26 =	simm.s32 $0x0  }
.LBB2_32:
0x26: {  	s0 =	rddreg [dreg:$0x8]  }
0x27: {  	[bflag:$0x0] =	sbarrier.arrive $0xFFFF;
	s0 =	sadd.s32 s0, s28  }
0x28: {  	s26 =	sadd.s32 $0x1, s26;
	s2 =	rddreg [dreg:$0x2];
	s0 =	sshll.u32 s0, $0x3  }
0x29: {  	p0 =	sne.s32 s26, $0x4;
	s0 =	sadd.s32 s2, s0  }
0x2a: {  	[hbm:s0], [sflag:s10] =	dma.local [spmem:s23], $0x2710  }
.Ltmp4:
0x2b: {  	_ =	swait.ge [sflag:s14], $0x2710;
	(pc) =	sbr.rel @!p0 .LBB2_33-.Ltmp4, $3  }
0x2c: {  	[sflag:s14] =	ssyncset.done $0x0  }
0x2d: {  	[sflag:s14] =	ssyncadd.s32 $0xFFFFD8F0  }
0x2e: {  	[bflag:$0x0] =	sbarrier.arrive $0xFFFF;
	_ =	sdelay $0x1  }
.LBB2_4:
0x2f: {  	s0 =	rddreg [dreg:$0x7]  }
0x30: {  	s2 =	rddreg [dreg:$0x6]  }
0x31: {  	[spmem:s13], [sflag:s10] =	dma.local [hbm:s2], $0x2750  }
.Ltmp5:
0x32: {  	s0 =	sadd.s32 s0, s26;
	_ =	swait.ge [sflag:s14], $0x2750;
	(pc) =	sbr.rel .LBB2_5-.Ltmp5, $4  }
0x33: {  	s28 =	smul.u32 $0x4E20, s0;
	[sflag:s14] =	ssyncset.done $0x0  }
0x34: {  	[sflag:s14] =	ssyncadd.s32 $0xFFFFD8B0  }
0x35: {  	s0 =	sadd.s32 $0x4E20, s28;
	[bflag:$0x0] =	sbarrier.arrive $0xFFFF  }
0x36: {  	s29 =	simm.s32 $0x0;
	v26 =	vmov s28;
	v27 =	vmov s0  }
.LBB2_30:
0x37: {  	v29 =	vld [tilespmem:s4+$0x2B88];
	_ =	sdelay $0x2  }
0x38: {  	v30 =	vor.u32 s0, v1  }
0x39: {  	vm0 =	vlt.s32 v30, v28  }
0x3a: {  	v28 =	vnsel vm0, $0x0, v29;
	_ =	sdelay $0x4  }
0x3b: {  	[tilespmem:v28+s15+$0x0] =	vst.idx.msk vm0, v0  }
.LBB2_31:
0x3c: {  	s29 =	sadd.s32 $0x1, s29  }
0x3d: {  	p0 =	sne.s32 s29, $0x6  }
.Ltmp6:
0x3e: {  	_ = 	snop;
	(pc) =	sbr.rel @!p0 .LBB2_32-.Ltmp6, $1  }
0x3f: {  	_ =	sdelay $0x3  }
.LBB2_5:
0x40: {  	s0 =	smul.u32 $0x1388, s29;
	_ =	sdelay $0x1  }
0x41: {  	s0 =	sadd.s32 s9, s0  }
0x42: {  	s2 =	sshrl.u32 s0, $0x3  }
.Ltmp7:
0x43: {  	s31 =	simm.s32 $0x0;
	s2 =	sadd.s32 s1, s2;
	(pc) =	sbr.rel .LBB2_6-.Ltmp7, $4  }
0x44: {  	[tilespmem:s31], [sflag:$0x2] =	stream.linear.gather [hbm4b:s2+s31], $0x1388, $0x38;
	[tilespmem:$0x1F048] =	vst v63  }
0x45: {  	_ =	swait.ge [sflag:s14], $0x1388  }
0x46: {  	[sflag:s14] =	ssyncset.done $0x0  }
0x47: {  	s30 =	simm.s32 $0x0;
	s5 =	simm.s32 $0x0;
	[sflag:s14] =	ssyncadd.s32 $0xFFFFEC78  }
.LBB2_14:
0x48: {  	s5 =	sadd.s32 $0x1, s5  }
0x49: {  	p1 =	sne.s32 s5, $0x138  }
.Ltmp8:
0x4a: {  	_ = 	snop;
	(pc) =	sbr.rel @!p1 .LBB2_15-.Ltmp8, $3  }
0x4b: {  	_ =	sdelay $0x1  }
0x4c: {  	p0 =	sgt.s32 s31, $0x3F0  }
0x4d: {  	s30 =	sadd.s32 s30, s12;
	s31 =	simm.s32 @p0 $0x0  }
.LBB2_6:
0x4e: {  	s2 =	sshll.u32 s5, $0x4  }
0x4f: {  	v28 =	vld [tilespmem:s2+$0x0];
	_ =	sdelay $0x4  }
0x50: {  	vm0 =	vge.s32 v28, v26;
	vm1 =	vlt.s32 v28, v27  }
0x51: {  	v28 =	vsub.s32 v28, v26;
	vm0 =	vmand vm0, vm1  }
0x52: {  	v29 =	vnsel vm0, $0xFFFFFFFF, v28  }
0x53: {  	(xrf1) =	vunique.msk.u32 vm0, v29;
	_ =	sdelay $0x3  }
0x54: {  	v28 =	vnsel vm0, $0x0, v28;
	_ =	sdelay $0x4  }
0x55: {  	v29 =	vld.idx.msk [tilespmem:v28+s15+$0x0], $0xffff;
	_ =	sdelay $0x4  }
0x56: {  	v29 =	vadd.s32 v2, v29;
	_, v30, vm15 =	vpop (xrf1)  }
0x57: {  	v29 =	vadd.s32 v30, v29  }
0x58: {  	vm2 =	veq.s32 v29, $0x1  }
0x59: {  	vm3 =	vgt.s32 v29, $0x1;
	vm2 =	vmand vm0, vm2  }
0x5a: {  	vm3 =	vmand vm0, vm3;
	v61 =	vsel vm2, $0x1, v0  }
0x5b: {  	v62 =	vsel vm3, $0x1, v0;
	(xrf0) =	vadd.scan.msk.s32 $0xffff, v61  }
0x5c: {  	(xrf0) =	vadd.scan.msk.s32 $0xffff, v62;
	_ =	sdelay $0x4  }
0x5d: {  	v63, _, _ =	vpop (xrf0)  }
0x5e: {  	v31, _, _ =	vpop (xrf0);
	(v2sf) =	vpush v63, $0xF  }
0x5f: {  	(v2sf) =	vpush v31, $0xF;
	_ =	sdelay $0x9  }
0x60: {  	v32 =	vmov s30  }
0x61: {  	v33 =	vmov s31;
	v32 =	vadd.s32 $0xFFFFFFFF, v32  }
0x62: {  	v33 =	vadd.s32 $0xFFFFFFFF, v33;
	v32 =	vbroadcast v32, $0x0;
	vm0 =	vmand vm0, vm15  }
0x63: {  	v33 =	vbroadcast v33, $0x0  }
0x64: {  	v30 =	vadd.s32 v63, v32;
	s12 =	spop (v2sf)  }
0x65: {  	v31 =	vadd.s32 v31, v33;
	s11 =	spop (v2sf)  }
0x66: {  	v31 =	vadd.s32 $0x1400, v31;
	s31 =	sadd.s32 s31, s11  }
0x67: {  	p0 =	slt.s32 s31, $0x3F1  }
.Ltmp9:
0x68: {  	s2 =	sadd.s32 s0, s2;
	[tilespmem:v28+s15+$0x0] =	vst.idx.msk vm0, v29;
	(pc) =	sbr.rel @p0 .LBB2_14-.Ltmp9, $4  }
0x69: {  	v29 =	vadd.s32 s2, v1;
	[tilespmem:v30+s16+$0x0] =	vst.idx.msk vm2, v28  }
0x6a: {  	[tilespmem:v30+s17+$0x0] =	vst.idx.msk vm2, v29  }
0x6b: {  	[tilespmem:v31+s16+$0x0] =	vst.idx.msk vm3, v28  }
0x6c: {  	[tilespmem:v31+s17+$0x0] =	vst.idx.msk vm3, v29  }
.Ltmp10:
0x6d: {  	(pc) =	sbr.rel .LBB2_8-.Ltmp10, $3  }
0x6e: {  	_ =	sdelay $0x1  }
0x6f: {  	s2 =	sadd.s32 $0xF, s31  }
0x70: {  	v28 =	vmov s31;
	s4 =	sshrl.u32 s2, $0x4;
	s2 =	simm.s32 $0x0  }
.LBB2_12:
0x71: {  	vm0 =	vmand vm0, vm1;
	[sflag:s14] =	ssyncset.done @p0 $0x0  }
0x72: {  	v30 =	vsel vm0, v31, v1;
	[sflag:s14] =	ssyncadd.s32 @p0 $0xFFFFFC00  }
0x73: {  	v29 =	vsel vm0, v29, v3;
	[tilespmem:$0x6788] =	vst v30  }
0x74: {  	[tilespmem:$0x6798] =	vst v29  }
0x75: {  	[tilespmem:s20], [sflag:$0x1] =	stream.indirect.gather [hbm4b:s6+s18], $0x40, s19, s18, $0xb8;
	[tilespmem:$0x1F048] =	vst v63  }
0x76: {  	_ =	swait.ge [sflag:s21], $0x400  }
0x77: {  	[sflag:s21] =	ssyncset.done $0x0  }
0x78: {  	[sflag:s21] =	ssyncadd.s32 $0xFFFFFC00  }
0x79: {  	[spmem:s3] =	stream.indirect.scatter.add.f32 [tilespmem:s20], [sflag:$0x2], $0x40, s22, s18, $0xb8;
	[tilespmem:$0x1F048] =	vst v63  }
0x7a: {  	_ =	swait.ge [sflag:s14], $0x400  }
0x7b: {  	[sflag:s14] =	ssyncset.done $0x0  }
0x7c: {  	[sflag:s14] =	ssyncadd.s32 $0xFFFFFC00  }
.LBB2_13:
0x7d: {  	s2 =	sadd.s32 $0x1, s2  }
0x7e: {  	p0 =	sne.s32 s2, s4  }
.Ltmp11:
0x7f: {  	_ = 	snop;
	(pc) =	sbr.rel @!p0 .LBB2_14-.Ltmp11, $1  }
0x80: {  	_ =	sdelay $0x3  }
.LBB2_8:
0x81: {  	s8 =	sshll.u32 s2, $0x4  }
0x82: {  	v29 =	vld [tilespmem:s8+$0x3F88];
	_ =	sdelay $0x2  }
0x83: {  	v30 =	vor.u32 s8, v1  }
0x84: {  	vm0 =	vlt.s32 v30, v28  }
0x85: {  	v30 =	vnsel vm0, $0xFFFFFFFF, v29  }
0x86: {  	(xrf1) =	vunique.msk.u32 vm0, v30;
	_ =	sdelay $0xd  }
0x87: {  	_, v30, _ =	vpop (xrf1)  }
0x88: {  	v30 =	vadd.s32 v2, v30  }
0x89: {  	v31 =	vxor.u32 $0x80000000, v30  }
0x8a: {  	v31 =	vnsel vm0, $0x80000000, v31  }
0x8b: {  	(xrf0) =	vmax.scan.msk.u32 $0xffff, v31;
	_ =	sdelay $0x5  }
0x8c: {  	v31, _, _ =	vpop (xrf0)  }
0x8d: {  	(v2sf) =	vpush v31, $0xF;
	_ =	sdelay $0xe  }
0x8e: {  	s7 =	spop (v2sf)  }
0x8f: {  	s11 =	sxor.u32 $0x80000000, s7  }
0x90: {  	p0 =	slt.s32 s11, $0x1  }
.Ltmp12:
0x91: {  	_ = 	snop;
	(pc) =	sbr.rel @p0 .LBB2_13-.Ltmp12, $1  }
0x92: {  	v31 =	vld [tilespmem:s8+$0x2788];
	_ =	sdelay $0x3  }
0x93: {  	p1 =	sne.s32 s7, $0x80000001  }
.Ltmp13:
0x94: {  	_ = 	snop;
	(pc) =	sbr.rel @!p1 .LBB2_12-.Ltmp13, $3  }
0x95: {  	_ =	sdelay $0x1  }
0x96: {  	s8 =	simm.s32 $0x1  }
0x97: {  	p0 =	por $0x0, $0x0;
	vm1 =	veq.s32 v30, s8  }
0x98: {  	vm1 =	vmand vm0, vm1  }
0x99: {  	v32 =	vsel vm1, v31, v1  }
0x9a: {  	v33 =	vsel vm1, v29, v3;
	[tilespmem:$0x6788] =	vst v32  }
0x9b: {  	p1 =	sne.s32 s7, $0x80000002;
	[tilespmem:$0x6798] =	vst v33  }
0x9c: {  	[tilespmem:s20], [sflag:$0x1] =	stream.indirect.gather [hbm4b:s6+s18], $0x40, s19, s18, $0xb8;
	[tilespmem:$0x1F048] =	vst v63  }
.Ltmp14:
0x9d: {  	_ =	swait.ge [sflag:s21], $0x400;
	(pc) =	sbr.rel @!p1 .LBB2_12-.Ltmp14, $4  }
0x9e: {  	[sflag:s21] =	ssyncset.done $0x0  }
0x9f: {  	s11 =	simm.s32 $0x2;
	[sflag:s21] =	ssyncadd.s32 $0xFFFFFC00  }
0xa0: {  	[spmem:s3] =	stream.indirect.scatter.add.f32 [tilespmem:s20], [sflag:$0x2], $0x40, s22, s18, $0xb8;
	[tilespmem:$0x1F048] =	vst v63  }
0xa1: {  	s8 =	simm.s32 $0x80000002;
	p0 =	por $0x1, $0x1;
	vm1 =	veq.s32 v30, s11;
	_ =	swait.ge [sflag:s14], $0x400  }
.LBB2_11:
0xa2: {  	vm1 =	vmand vm0, vm1;
	[sflag:s14] =	ssyncset.done $0x0;
	s11 =	smov.u32 s8;
	s8 =	sadd.s32 $0x1, s8  }
0xa3: {  	p1 =	sne.s32 s7, s8;
	v32 =	vsel vm1, v31, v1;
	v33 =	vsel vm1, v29, v3;
	[sflag:s14] =	ssyncadd.s32 $0xFFFFFC00  }
0xa4: {  	[tilespmem:$0x6788] =	vst v32  }
0xa5: {  	[tilespmem:$0x6798] =	vst v33  }
0xa6: {  	[tilespmem:s20], [sflag:$0x1] =	stream.indirect.gather [hbm4b:s6+s18], $0x40, s19, s18, $0xb8;
	[tilespmem:$0x1F048] =	vst v63  }
.Ltmp15:
0xa7: {  	_ =	swait.ge [sflag:s21], $0x400;
	(pc) =	sbr.rel @p1 .LBB2_11-.Ltmp15, $4  }
0xa8: {  	[sflag:s21] =	ssyncset.done $0x0  }
0xa9: {  	s11 =	sadd.s32 $0x80000001, s11;
	[sflag:s21] =	ssyncadd.s32 $0xFFFFFC00  }
0xaa: {  	[spmem:s3] =	stream.indirect.scatter.add.f32 [tilespmem:s20], [sflag:$0x2], $0x40, s22, s18, $0xb8;
	[tilespmem:$0x1F048] =	vst v63  }
0xab: {  	vm1 =	veq.s32 v30, s11;
	_ =	swait.ge [sflag:s14], $0x400  }
.Ltmp16:
0xac: {  	_ = 	snop;
	(pc) =	sbr.rel .LBB2_12-.Ltmp16, $1  }
0xad: {  	_ =	sdelay $0x3  }
.LBB2_15:
0xae: {  	s0 =	sand.u32 $0x7F, s30  }
0xaf: {  	v28 =	vmov s0  }
0xb0: {  	s4 =	sand.u32 $0xFFFFFF80, s30;
	vm0 =	vlt.u32 v28, v4  }
0xb1: {  	v29 =	vor.u32 s4, v1  }
0xb2: {  	vm1 =	vlt.u32 v28, v5  }
0xb3: {  	v30 =	vor.u32 s4, v6  }
0xb4: {  	vm2 =	vlt.u32 v28, v8  }
0xb5: {  	s0 =	simm.s32 $0x2B88;
	v31 =	vor.u32 s4, v9  }
0xb6: {  	s2 =	simm.s32 $0x1388;
	vm3 =	vlt.u32 v28, v11;
	[tilespmem:v29+s0+$0x0] =	vst.idx.msk vm0, v3  }
0xb7: {  	[tilespmem:v29+s2+$0x0] =	vst.idx.msk vm0, v1;
	v29 =	vor.u32 s4, v12  }
0xb8: {  	vm12 =	vlt.u32 v28, v14;
	[tilespmem:v30+s0+$0x0] =	vst.idx.msk vm1, v7  }
0xb9: {  	v62 =	vor.u32 s4, v15;
	[tilespmem:v30+s2+$0x0] =	vst.idx.msk vm1, v6  }
0xba: {  	vm13 =	vlt.u32 v28, v17;
	[tilespmem:v31+s0+$0x0] =	vst.idx.msk vm2, v10  }
0xbb: {  	v63 =	vor.u32 s4, v18;
	[tilespmem:v31+s2+$0x0] =	vst.idx.msk vm2, v9  }
0xbc: {  	vm14 =	vlt.u32 v28, v20;
	[tilespmem:v29+s0+$0x0] =	vst.idx.msk vm3, v13  }
0xbd: {  	[tilespmem:v29+s2+$0x0] =	vst.idx.msk vm3, v12;
	v29 =	vor.u32 s4, v21  }
0xbe: {  	s12 =	sadd.s32 $0x7F, s30;
	vm15 =	vlt.u32 v28, v23;
	[tilespmem:v62+s0+$0x0] =	vst.idx.msk vm12, v16  }
0xbf: {  	v28 =	vor.u32 s4, v24;
	s4 =	sshrl.u32 s12, $0x7;
	[tilespmem:v62+s2+$0x0] =	vst.idx.msk vm12, v15  }
0xc0: {  	p0 =	seq.s32 s4, $0x0;
	[tilespmem:v63+s0+$0x0] =	vst.idx.msk vm13, v19  }
.Ltmp17:
0xc1: {  	[tilespmem:v63+s2+$0x0] =	vst.idx.msk vm13, v18;
	(pc) =	sbr.rel @p0 .LBB2_19-.Ltmp17, $4  }
0xc2: {  	[tilespmem:v29+s0+$0x0] =	vst.idx.msk vm14, v22  }
0xc3: {  	[tilespmem:v29+s2+$0x0] =	vst.idx.msk vm14, v21  }
0xc4: {  	[tilespmem:v28+s0+$0x0] =	vst.idx.msk vm15, v25  }
0xc5: {  	[tilespmem:v28+s2+$0x0] =	vst.idx.msk vm15, v24  }
0xc6: {  	[tilespmem:s25], [sflag:$0x1] =	stream.indirect.gather [hbm4b:s6+s24], $0x40, s2, s24, $0xb8;
	[tilespmem:$0x1F048] =	vst v63  }
0xc7: {  	p0 =	sne.s32 s4, $0x1;
	_ =	swait.ge [sflag:s21], $0x2000  }
.Ltmp18:
0xc8: {  	[sflag:s21] =	ssyncset.done $0x0;
	(pc) =	sbr.rel @!p0 .LBB2_18-.Ltmp18, $4  }
0xc9: {  	[sflag:s21] =	ssyncadd.s32 $0xFFFFE000  }
0xca: {  	[spmem:s3] =	stream.indirect.scatter.add.f32 [tilespmem:s25], [sflag:$0x2], $0x40, s0, s24, $0xb8;
	[tilespmem:$0x1F048] =	vst v63  }
0xcb: {  	_ =	swait.ge [sflag:s14], $0x2000  }
0xcc: {  	s4 =	sadd.s32 $0xFFFFFFFF, s4;
	[sflag:s14] =	ssyncset.done $0x0  }
.LBB2_17:
0xcd: {  	[sflag:s14] =	ssyncadd.s32 $0xFFFFE000;
	s2 =	sadd.s32 $0x80, s2;
	s0 =	sadd.s32 $0x80, s0  }
0xce: {  	[tilespmem:s25], [sflag:$0x1] =	stream.indirect.gather [hbm4b:s6+s24], $0x40, s2, s24, $0xb8;
	[tilespmem:$0x1F048] =	vst v63  }
0xcf: {  	p0 =	sne.s32 s4, $0x1;
	s4 =	sadd.s32 $0xFFFFFFFF, s4;
	_ =	swait.ge [sflag:s21], $0x2000  }
.Ltmp19:
0xd0: {  	[sflag:s21] =	ssyncset.done $0x0;
	(pc) =	sbr.rel @p0 .LBB2_17-.Ltmp19, $4  }
0xd1: {  	[sflag:s21] =	ssyncadd.s32 $0xFFFFE000  }
0xd2: {  	[spmem:s3] =	stream.indirect.scatter.add.f32 [tilespmem:s25], [sflag:$0x2], $0x40, s0, s24, $0xb8;
	[tilespmem:$0x1F048] =	vst v63  }
0xd3: {  	_ =	swait.ge [sflag:s14], $0x2000  }
0xd4: {  	[sflag:s14] =	ssyncset.done $0x0  }
.LBB2_18:
0xd5: {  	[sflag:s14] =	ssyncadd.s32 $0xFFFFE000  }
.LBB2_19:
0xd6: {  	s0 =	sadd.s32 $0xF, s31  }
0xd7: {  	s0 =	sshrl.u32 s0, $0x4  }
0xd8: {  	p0 =	seq.s32 s0, $0x0  }
.Ltmp20:
0xd9: {  	_ = 	snop;
	(pc) =	sbr.rel @p0 .LBB2_27-.Ltmp20, $1  }
0xda: {  	_ =	sdelay $0x3  }
.Ltmp21:
0xdb: {  	(pc) =	sbr.rel .LBB2_21-.Ltmp21, $2  }
0xdc: {  	_ =	sdelay $0x2  }
0xdd: {  	v28 =	vmov s31;
	s2 =	simm.s32 $0x0  }
.LBB2_25:
0xde: {  	vm0 =	vmand vm0, vm1;
	[sflag:s14] =	ssyncset.done @p0 $0x0  }
0xdf: {  	v30 =	vsel vm0, v31, v1;
	[sflag:s14] =	ssyncadd.s32 @p0 $0xFFFFFC00  }
0xe0: {  	v29 =	vsel vm0, v29, v3;
	[tilespmem:$0x6788] =	vst v30  }
0xe1: {  	[tilespmem:$0x6798] =	vst v29  }
0xe2: {  	[tilespmem:s20], [sflag:$0x1] =	stream.indirect.gather [hbm4b:s6+s18], $0x40, s19, s18, $0xb8;
	[tilespmem:$0x1F048] =	vst v63  }
0xe3: {  	_ =	swait.ge [sflag:s21], $0x400  }
0xe4: {  	[sflag:s21] =	ssyncset.done $0x0  }
0xe5: {  	[sflag:s21] =	ssyncadd.s32 $0xFFFFFC00  }
0xe6: {  	[spmem:s3] =	stream.indirect.scatter.add.f32 [tilespmem:s20], [sflag:$0x2], $0x40, s22, s18, $0xb8;
	[tilespmem:$0x1F048] =	vst v63  }
0xe7: {  	_ =	swait.ge [sflag:s14], $0x400  }
0xe8: {  	[sflag:s14] =	ssyncset.done $0x0  }
0xe9: {  	[sflag:s14] =	ssyncadd.s32 $0xFFFFFC00  }
.LBB2_26:
0xea: {  	s2 =	sadd.s32 $0x1, s2  }
0xeb: {  	p0 =	sne.s32 s2, s0  }
.Ltmp22:
0xec: {  	_ = 	snop;
	(pc) =	sbr.rel @!p0 .LBB2_27-.Ltmp22, $1  }
0xed: {  	_ =	sdelay $0x3  }
.LBB2_21:
0xee: {  	s5 =	sshll.u32 s2, $0x4  }
0xef: {  	v29 =	vld [tilespmem:s5+$0x3F88];
	_ =	sdelay $0x2  }
0xf0: {  	v30 =	vor.u32 s5, v1  }
0xf1: {  	vm0 =	vlt.s32 v30, v28  }
0xf2: {  	v30 =	vnsel vm0, $0xFFFFFFFF, v29  }
0xf3: {  	(xrf1) =	vunique.msk.u32 vm0, v30;
	_ =	sdelay $0xd  }
0xf4: {  	_, v30, _ =	vpop (xrf1)  }
0xf5: {  	v30 =	vadd.s32 v2, v30  }
0xf6: {  	v31 =	vxor.u32 $0x80000000, v30  }
0xf7: {  	v31 =	vnsel vm0, $0x80000000, v31  }
0xf8: {  	(xrf0) =	vmax.scan.msk.u32 $0xffff, v31;
	_ =	sdelay $0x5  }
0xf9: {  	v31, _, _ =	vpop (xrf0)  }
0xfa: {  	(v2sf) =	vpush v31, $0xF;
	_ =	sdelay $0xe  }
0xfb: {  	s4 =	spop (v2sf)  }
0xfc: {  	s7 =	sxor.u32 $0x80000000, s4  }
0xfd: {  	p0 =	slt.s32 s7, $0x1  }
.Ltmp23:
0xfe: {  	_ = 	snop;
	(pc) =	sbr.rel @p0 .LBB2_26-.Ltmp23, $1  }
0xff: {  	v31 =	vld [tilespmem:s5+$0x2788];
	_ =	sdelay $0x3  }
0x100: {  	p1 =	sne.s32 s4, $0x80000001  }
.Ltmp24:
0x101: {  	_ = 	snop;
	(pc) =	sbr.rel @!p1 .LBB2_25-.Ltmp24, $3  }
0x102: {  	_ =	sdelay $0x1  }
0x103: {  	s5 =	simm.s32 $0x1  }
0x104: {  	p0 =	por $0x0, $0x0;
	vm1 =	veq.s32 v30, s5  }
0x105: {  	vm1 =	vmand vm0, vm1  }
0x106: {  	v32 =	vsel vm1, v31, v1  }
0x107: {  	v33 =	vsel vm1, v29, v3;
	[tilespmem:$0x6788] =	vst v32  }
0x108: {  	p1 =	sne.s32 s4, $0x80000002;
	[tilespmem:$0x6798] =	vst v33  }
0x109: {  	[tilespmem:s20], [sflag:$0x1] =	stream.indirect.gather [hbm4b:s6+s18], $0x40, s19, s18, $0xb8;
	[tilespmem:$0x1F048] =	vst v63  }
.Ltmp25:
0x10a: {  	_ =	swait.ge [sflag:s21], $0x400;
	(pc) =	sbr.rel @!p1 .LBB2_25-.Ltmp25, $4  }
0x10b: {  	[sflag:s21] =	ssyncset.done $0x0  }
0x10c: {  	s7 =	simm.s32 $0x2;
	[sflag:s21] =	ssyncadd.s32 $0xFFFFFC00  }
0x10d: {  	[spmem:s3] =	stream.indirect.scatter.add.f32 [tilespmem:s20], [sflag:$0x2], $0x40, s22, s18, $0xb8;
	[tilespmem:$0x1F048] =	vst v63  }
0x10e: {  	s5 =	simm.s32 $0x80000002;
	p0 =	por $0x1, $0x1;
	vm1 =	veq.s32 v30, s7;
	_ =	swait.ge [sflag:s14], $0x400  }
.LBB2_24:
0x10f: {  	vm1 =	vmand vm0, vm1;
	[sflag:s14] =	ssyncset.done $0x0;
	s7 =	smov.u32 s5;
	s5 =	sadd.s32 $0x1, s5  }
0x110: {  	p1 =	sne.s32 s4, s5;
	v32 =	vsel vm1, v31, v1;
	v33 =	vsel vm1, v29, v3;
	[sflag:s14] =	ssyncadd.s32 $0xFFFFFC00  }
0x111: {  	[tilespmem:$0x6788] =	vst v32  }
0x112: {  	[tilespmem:$0x6798] =	vst v33  }
0x113: {  	[tilespmem:s20], [sflag:$0x1] =	stream.indirect.gather [hbm4b:s6+s18], $0x40, s19, s18, $0xb8;
	[tilespmem:$0x1F048] =	vst v63  }
.Ltmp26:
0x114: {  	_ =	swait.ge [sflag:s21], $0x400;
	(pc) =	sbr.rel @p1 .LBB2_24-.Ltmp26, $4  }
0x115: {  	[sflag:s21] =	ssyncset.done $0x0  }
0x116: {  	s7 =	sadd.s32 $0x80000001, s7;
	[sflag:s21] =	ssyncadd.s32 $0xFFFFFC00  }
0x117: {  	[spmem:s3] =	stream.indirect.scatter.add.f32 [tilespmem:s20], [sflag:$0x2], $0x40, s22, s18, $0xb8;
	[tilespmem:$0x1F048] =	vst v63  }
0x118: {  	vm1 =	veq.s32 v30, s7;
	_ =	swait.ge [sflag:s14], $0x400  }
.Ltmp27:
0x119: {  	_ = 	snop;
	(pc) =	sbr.rel .LBB2_25-.Ltmp27, $1  }
0x11a: {  	_ =	sdelay $0x3  }
.LBB2_27:
0x11b: {  	s0 =	sadd.s32 $0xF, s30  }
0x11c: {  	s2 =	sshrl.u32 s0, $0x4  }
0x11d: {  	p0 =	seq.s32 s2, $0x0  }
.Ltmp28:
0x11e: {  	_ = 	snop;
	(pc) =	sbr.rel @p0 .LBB2_31-.Ltmp28, $1  }
0x11f: {  	_ =	sdelay $0x3  }
0x120: {  	p0 =	sne.s32 s2, $0x1  }
.Ltmp29:
0x121: {  	_ = 	snop;
	(pc) =	sbr.rel @!p0 .LBB2_30-.Ltmp29, $3  }
0x122: {  	_ =	sdelay $0x1  }
0x123: {  	s0 =	simm.s32 $0x0  }
0x124: {  	v28 =	vmov s30;
	s2 =	sadd.s32 $0xFFFFFFFF, s2;
	s4 =	sand.u32 $0xFFFFFFF0, s0  }
.LBB2_29:
0x125: {  	p0 =	sne.s32 s2, $0x1;
	v29 =	vld [tilespmem:s4+$0x2B88];
	_ =	sdelay $0x2  }
0x126: {  	v30 =	vor.u32 s0, v1  }
0x127: {  	vm0 =	vlt.s32 v30, v28  }
0x128: {  	v29 =	vnsel vm0, $0x0, v29  }
.Ltmp30:
0x129: {  	(pc) =	sbr.rel @p0 .LBB2_29-.Ltmp30, $3  }
0x12a: {  	_ =	sdelay $0x1  }
0x12b: {  	s0 =	sadd.s32 $0x10, s0  }
0x12c: {  	s2 =	sadd.s32 $0xFFFFFFFF, s2;
	s4 =	sand.u32 $0xFFFFFFF0, s0;
	[tilespmem:v29+s15+$0x0] =	vst.idx.msk vm0, v0  }
.Ltmp31:
0x12d: {  	_ = 	snop;
	(pc) =	sbr.rel .LBB2_30-.Ltmp31, $1  }
0x12e: {  	_ =	sdelay $0x3  }
.LBB2_34:
0x12f: {  	_ =	sfence.sel $0x180000  }
0x130: {  	[bflag:$0x0] =	sbarrier.arrive $0xFFFF  }
0x131: {  	_ =	strace $0x9000004A  }
0x132: {  	s0 =	stileid.u32;
	[bflag:$0x2] =	sbarrier.arrive $0xFFFF  }
0x133: {  	p0 =	sne.s32 s0, $0x0;
	s0 =	rddreg [dreg:$0x4]  }
0x134: {  	s0 =	sadd.s32 @!p0 $0x100000, s0  }
0x135: {  	[sflag:s0] =	ssyncadd.tile.s32 @!p0 $0x1;
	_ =	shalt  }
.Lfunc_end2:
_tile_overlayer_lowered:
.L_overlay_start_2:
0x136: {  	(tag) =	ssettag $0x2  }
0x137: {  	s0 =	rddreg [dreg:$0x0];
	s2 =	stileid.u32  }
0x138: {  	s1 =	rddreg [dreg:$0x1];
	p0 =	sne.s32 s2, $0x0  }
0x139: {  	s3 =	rddreg [dreg:$0x2];
	[bflag:$0x3] =	sbarrier.arrive $0xFFFF;
	s2 =	simm.s32 @!p0 $0x1C02  }
0x13a: {  	[timem:s3], [sflag:s2] =	dma.local @!p0 [hbm:s0], s1  }
0x13b: {  	s0 =	simm.s32 @!p0 $0x2  }
0x13c: {  	_ =	swait.ge @!p0 [sflag:s0], s1  }
0x13d: {  	s1 =	ssub.s32 @!p0 $0x0, s1;
	[sflag:s0] =	ssyncset.done @!p0 $0x0  }
0x13e: {  	[sflag:s0] =	ssyncadd.s32 @!p0 s1  }
0x13f: {  	[bflag:$0x3] =	sbarrier.arrive $0xFFFF  }
0x140: {  	_ =	shalt  }

// kernel: kernel.7.cloned.1.call-start
scs
__scs_entry_jumppad:
0x0: {  	(pc) =	sbr.rel $0x88, $3  }
0x1: {  	(tag) =	ssettag $0x0;
	lr =	simm.s32 $0x1  }
0x2: {  	[smem:$0x3F92] =	sst lr;
	_ =	strace $0xD0000000  }
0x3: {  	_ = 	snop  }
0x4: {  	_ = 	snop  }
0x5: {  	_ = 	snop  }
0x6: {  	_ = 	snop  }
0x7: {  	_ = 	snop  }
__scs_overlays_trampoline_lowered:
0x8: {  	[smem:$0x3FA1] =	sst s0  }
0x9: {  	[smem:$0x3FA2] =	sst s1  }
0xa: {  	[smem:$0x3FA3] =	sst s2  }
0xb: {  	[smem:$0x3FA4] =	sst s3  }
0xc: {  	[smem:$0x3FA5] =	sst s4  }
0xd: {  	[smem:$0x3FA6] =	sst s5  }
0xe: {  	[smem:$0x3FA7] =	sst s6  }
0xf: {  	[smem:$0x3FA8] =	sst s7  }
0x10: {  	[smem:$0x3FA9] =	sst s8  }
0x11: {  	[smem:$0x3FAA] =	sst s9;
	s0 =	simm.s32 @!p0 $0x0  }
0x12: {  	s1 =	sld [smem:$0x3F90];
	s0 =	simm.s32 @p0 $0x1  }
0x13: {  	[smem:$0x3FAB] =	sst s0;
	s0 =	simm.s32 @!p1 $0x0  }
0x14: {  	s2 =	sld [smem:$0x3F8F];
	s0 =	simm.s32 @p1 $0x1  }
0x15: {  	[smem:$0x3FAC] =	sst s0;
	s0 =	simm.s32 @!p2 $0x0  }
0x16: {  	s3 =	sld [smem:$0x3FDB];
	s0 =	simm.s32 @p2 $0x1  }
0x17: {  	s4 =	simm.s32 $0x1BF5;
	[smem:$0x3FAE] =	sst s0  }
0x18: {  	s0 =	sld [smem:$0x3F91];
	_ =	swait.ge [sflag:s4], $0x0  }
0x19: {  	s7 =	sld [smem:$0x3F92]  }
0x1a: {  	s8 =	sadd.s32 $0xFFFFE003, lr  }
0x1b: {  	s9 =	sadd.s32 $0xFFFFFEF7, lr;
	s5 =	simm.s32 $0xFFFFFFFF;
	p2 =	slt.u32 s8, $0xFFFFF086  }
0x1c: {  	p1 =	slt.u32 s9, $0xF7A;
	s5 =	simm.s32 @!p2 $0x0  }
0x1d: {  	s5 =	simm.s32 @p1 $0x1;
	p0 =	seq.s32 s7, s2  }
0x1e: {  	s7 =	smul.u32 @!p0 $0xF7A, s2;
	p2 =	seq.s32 @!p0 s5, $0x0  }
0x1f: {  	s9 =	smul.u32 $0xF7A, s1;
	s8 =	simm.s32 @!p0 $0x1BF5;
	p2 =	por !p2, p0  }
0x20: {  	[sflag:s8] =	ssyncset.s32 @!p0 $0xFFFFF086;
	s6 =	sadd.s32 @!p0 s3, s7;
	s7 =	simm.s32 @!p0 $0x108  }
0x21: {  	s3 =	sadd.s32 s3, s9;
	s6 =	sadd.s32 @!p0 $0x88, s6;
	s7 =	simm.s32 @p2 $0x1082  }
0x22: {  	[simem:s7], [sflag:s8] =	dma.local @!p0 [hbm:s6], $0xF7A  }
0x23: {  	s9 =	sor.u32 $0xD0000000, s2;
	s6 =	simm.s32 $0x108;
	_ =	swait.ge @!p0 [sflag:s8], $0x0  }
0x24: {  	s3 =	sadd.s32 $0x88, s3;
	s6 =	simm.s32 @!p1 $0x1082;
	[sflag:s4] =	ssyncset.s32 $0xFFFFF086  }
0x25: {  	[simem:s6], [sflag:s4] =	dma.local [hbm:s3], $0xF7A  }
0x26: {  	[smem:$0x3F92] =	sst s1;
	(tag) =	ssettag s2;
	_ =	strace s9  }
0x27: {  	s1 =	sld [smem:$0x3FA2]  }
0x28: {  	s2 =	sld [smem:$0x3FA3]  }
0x29: {  	s4 =	sld [smem:$0x3FA5]  }
0x2a: {  	p0 =	seq.s32 s5, $0x0;
	s5 =	sld [smem:$0x3FA6]  }
0x2b: {  	s6 =	sld [smem:$0x3FA7]  }
0x2c: {  	s7 =	sld [smem:$0x3FA8]  }
0x2d: {  	s3 =	simm.s32 $0x108;
	s8 =	sld [smem:$0x3FA9]  }
0x2e: {  	s3 =	simm.s32 @!p0 $0x1082;
	s9 =	sld [smem:$0x3FAA]  }
0x2f: {  	lr =	sadd.s32 s0, s3;
	s0 =	sld [smem:$0x3FA1]  }
0x30: {  	s3 =	sld [smem:$0x3FA4]  }
0x31: {  	[smem:$0x3FAD] =	sst s10  }
0x32: {  	s10 =	sld [smem:$0x3FAB];
	_ =	sdelay $0x3  }
0x33: {  	p0 =	seq.s32 s10, $0x1;
	s10 =	sld [smem:$0x3FAD];
	_ =	sdelay $0x3  }
0x34: {  	[smem:$0x3FAD] =	sst s10  }
0x35: {  	s10 =	sld [smem:$0x3FAC];
	_ =	sdelay $0x3  }
0x36: {  	p1 =	seq.s32 s10, $0x1;
	s10 =	sld [smem:$0x3FAD];
	_ =	sdelay $0x3  }
0x37: {  	[smem:$0x3FAD] =	sst s10  }
0x38: {  	s10 =	sld [smem:$0x3FAE]  }
0x39: {  	_ = 	snop;
	(pc) =	sbr.ind lr, $3  }
0x3a: {  	_ = 	snop  }
0x3b: {  	_ = 	snop  }
0x3c: {  	p2 =	seq.s32 s10, $0x1;
	s10 =	sld [smem:$0x3FAD]  }
0x3d: {  	_ =	shalt  }
0x3e: {  	_ =	shalt  }
0x3f: {  	_ =	shalt  }
0x40: {  	_ =	shalt  }
0x41: {  	_ =	shalt  }
0x42: {  	_ =	shalt  }
0x43: {  	_ =	shalt  }
0x44: {  	_ =	shalt  }
0x45: {  	_ =	shalt  }
0x46: {  	_ =	shalt  }
0x47: {  	_ =	shalt  }
0x48: {  	_ =	shalt  }
0x49: {  	_ =	shalt  }
0x4a: {  	_ =	shalt  }
0x4b: {  	_ =	shalt  }
0x4c: {  	_ =	shalt  }
0x4d: {  	_ =	shalt  }
0x4e: {  	_ =	shalt  }
0x4f: {  	_ =	shalt  }
0x50: {  	_ =	shalt  }
0x51: {  	_ =	shalt  }
0x52: {  	_ =	shalt  }
0x53: {  	_ =	shalt  }
0x54: {  	_ =	shalt  }
0x55: {  	_ =	shalt  }
0x56: {  	_ =	shalt  }
0x57: {  	_ =	shalt  }
0x58: {  	_ =	shalt  }
0x59: {  	_ =	shalt  }
0x5a: {  	_ =	shalt  }
0x5b: {  	_ =	shalt  }
0x5c: {  	_ =	shalt  }
0x5d: {  	_ =	shalt  }
0x5e: {  	_ =	shalt  }
0x5f: {  	_ =	shalt  }
0x60: {  	_ =	shalt  }
0x61: {  	_ =	shalt  }
0x62: {  	_ =	shalt  }
0x63: {  	_ =	shalt  }
0x64: {  	_ =	shalt  }
0x65: {  	_ =	shalt  }
0x66: {  	_ =	shalt  }
0x67: {  	_ =	shalt  }
0x68: {  	_ =	shalt  }
0x69: {  	_ =	shalt  }
0x6a: {  	_ =	shalt  }
0x6b: {  	_ =	shalt  }
0x6c: {  	_ =	shalt  }
0x6d: {  	_ =	shalt  }
0x6e: {  	_ =	shalt  }
0x6f: {  	_ =	shalt  }
0x70: {  	_ =	shalt  }
0x71: {  	_ =	shalt  }
0x72: {  	_ =	shalt  }
0x73: {  	_ =	shalt  }
0x74: {  	_ =	shalt  }
0x75: {  	_ =	shalt  }
0x76: {  	_ =	shalt  }
0x77: {  	_ =	shalt  }
0x78: {  	_ =	shalt  }
0x79: {  	_ =	shalt  }
0x7a: {  	_ =	shalt  }
0x7b: {  	_ =	shalt  }
0x7c: {  	_ =	shalt  }
0x7d: {  	_ =	shalt  }
0x7e: {  	_ =	shalt  }
0x7f: {  	_ =	shalt  }
0x80: {  	_ =	shalt  }
0x81: {  	_ =	shalt  }
0x82: {  	_ =	shalt  }
0x83: {  	_ =	shalt  }
0x84: {  	_ =	shalt  }
0x85: {  	_ =	shalt  }
0x86: {  	_ =	shalt  }
0x87: {  	_ =	shalt  }
.Lfunc_end0:
.L_simem_size_0:
called_computation_lowered:
.L_overlay_start_0:
0x88: {  	s2 =	sld [smem:$0x3FD9]  }
0x89: {  	s3 =	sld [smem:$0x3FFE];
	_ =	sdelay $0x1  }
0x8a: {  	s1 =	srdreg.scid  }
0x8b: {  	s0 =	sand.u32 $0x1, s1  }
0x8c: {  	s16 =	sshll.u32 s0, $0xA;
	s2 =	sadd.s32 s3, s2  }
0x8d: {  	s2 =	sadd.s32 s2, s16  }
0x8e: {  	[smem:$0x3FB9] =	sst s2  }
0x8f: {  	_ = 	snop  }
0x90: {  	(tm) =	ssettm $0x1  }
0x91: {  	s17 =	sld [smem:$0x3FFB];
	_ =	sdelay $0x3  }
0x92: {  	_ =	strace s17  }
0x93: {  	s2 =	sld [smem:$0x3FFC];
	_ =	sdelay $0x3  }
0x94: {  	_ =	strace s2  }
0x95: {  	s2 =	sld [smem:$0x3FFD];
	_ =	sdelay $0x3  }
0x96: {  	_ =	strace s2  }
0x97: {  	_ =	strace $0x8FFFFFFF  }
0x98: {  	s18 =	sld [smem:$0x3FDB];
	_ =	sdelay $0x1  }
0x99: {  	s19 =	simm.s32 $_scs_section_size  }
0x9a: {  	s4 =	simm.s32 $_size__tile_overlayer_lowered;
	s5 =	simm.s32 $_tile_overlayer_lowered  }
0x9b: {  	s22 =	simm.s32 $0x1BFF;
	s21 =	sshll.u32 s5, $0x1;
	s2 =	sadd.s32 s19, s18  }
0x9c: {  	s6 =	simm.s32 $0x0;
	s20 =	sshll.u32 s4, $0x1;
	s4 =	sadd.s32 s21, s2  }
0x9d: {  	[timem:s6], [sflag:s22] =	dma.local [hbm:s4], s20  }
0x9e: {  	_ =	swait.ge [sflag:s22], s20  }
0x9f: {  	s3 =	ssub.s32 $0x0, s20;
	[sflag:s22] =	ssyncset.done $0x0  }
0xa0: {  	[sflag:s22] =	ssyncadd.s32 s3;
	_ =	sdelay $0x1  }
0xa1: {  	s23 =	simm.s32 $0x1B8B  }
0xa2: {  	_ =	swait.ge [sflag:s23], $0x1  }
0xa3: {  	[sflag:s23] =	ssyncset.done $0x0  }
0xa4: {  	s25 =	simm.s32 $0x1B8E;
	s24 =	sld [smem:$0x3FFE];
	[sflag:s23] =	ssyncadd.s32 $0xFFFFFFFF  }
0xa5: {  	s26 =	simm.s32 $execute0_lowered;
	[smem:$0x3FD2] =	sst s25  }
0xa6: {  	s4 =	sshll.u32 s26, $0x1;
	_ =	strace $0x80000046;
	[dreg:$0x1] =	wrdreg $0xFFFFFFFF  }
0xa7: {  	s28 =	simm.s32 $_size_execute0_lowered;
	s2 =	sadd.s32 s2, s4;
	[dreg:$0x0] =	wrdreg $0x0  }
0xa8: {  	s4 =	sshll.u32 s28, $0x1;
	[dreg:$0x2] =	wrdreg s2  }
0xa9: {  	[dreg:$0x3] =	wrdreg s4  }
0xaa: {  	[dreg:$0x4] =	wrdreg $0xC0  }
0xab: {  	_ =	task [dreg:s6], $0x5FFFF  }
0xac: {  	[dreg:$0x1] =	wrdreg $0xFFFFFFFF  }
0xad: {  	[dreg:$0x0] =	wrdreg $0x60  }
0xae: {  	[dreg:$0x2] =	wrdreg s24  }
0xaf: {  	[dreg:$0x3] =	wrdreg $0x9  }
0xb0: {  	_ =	task.clear_ibuf [dreg:s6], $0x4FFFF;
	_ =	strace $0x90000046  }
0xb1: {  	s29 =	simm.s32 $0x9;
	_ =	strace $0x80000048  }
0xb2: {  	_ =	swait.ge [sflag:s29], $0x1  }
0xb3: {  	[sflag:s29] =	ssyncadd.s32 $0xFFFFFFFF  }
0xb4: {  	_ =	strace $0x90000048  }
0xb5: {  	_ =	sfence  }
0xb6: {  	s30 =	sld [smem:$0x0];
	_ =	sdelay $0x2  }
0xb7: {  	s31 =	sshll.u32 s1, $0xD;
	s1 =	sshrl.u32 s1, $0x2  }
0xb8: {  	s3 =	sand.u32 $0x4000, s31;
	s1 =	sadd.s32 s1, s30  }
0xb9: {  	s0 =	sor.u32 s3, s0;
	s1 =	sshll.u32 s1, $0x11  }
0xba: {  	s0 =	sor.u32 s1, s0  }
0xbb: {  	s0 =	sadd.s32 $0x8F2B, s0  }
0xbc: {  	[sflag:s0] =	ssyncadd.remote.s32 $0x1  }
0xbd: {  	_ =	sfence.sel $0xFFFF  }
0xbe: {  	[dreg:$0x0] =	wrdreg $0xFFFFFFFF;
	(pc) =	sbr.abs _section_cstart, $3  }
0xbf: {  	[dreg:$0x1] =	wrdreg $0xFFFFFFFF  }
0xc0: {  	_ =	task.clear_ibuf [dreg:s6], $0x2FFFF;
	_ =	strace $0x9FFFFFFF  }
0xc1: {  	(tm) =	ssettm $0x7FFFFFFF  }
tec
execute0_lowered:
.L_overlay_start_1:
0x0: {  	(tag) =	ssettag $0x1  }
0x1: {  	s4 =	rddreg [dreg:$0x0]  }
0x2: {  	s0 =	rddreg [dreg:$0x1];
	s2 =	simm.s32 $0x0;
	s1 =	stileid.u32  }
0x3: {  	s3 =	srdreg.scid;
	s10 =	simm.s32 $0x0;
	s6 =	smul.u32 $0x7530, s1  }
0x4: {  	[smem:$0x7FF] =	sst s2;
	s5 =	sand.u32 $0x1, s3;
	s8 =	smul.u32 $0x3A980, s1  }
0x5: {  	s3 =	sadd.s32 $0x10C00, s4;
	s7 =	smul.u32 $0x3A98, s5;
	s9 =	ssub.s32 $0x2, s5  }
0x6: {  	_ =	strace $0x80000047;
	s5 =	smul.u32 $0x1D4C0, s5;
	s31 =	sshrl.u32 s9, $0x1  }
0x7: {  	s8 =	sadd.s32 s8, s4;
	s6 =	sadd.s32 s7, s6;
	s7 =	ssub.s32 s9, s31  }
0x8: {  	s5 =	sadd.s32 s5, s8;
	s8 =	simm.s32 $0x3E8;
	s6 =	sshrl.u32 s6, $0x3  }
0x9: {  	s9 =	simm.s32 $0x1;
	s5 =	sadd.s32 $0x4F2C00, s5;
	s6 =	sadd.s32 s6, s4  }
0xa: {  	s4 =	smax.u32 s7, $0x1;
	s7 =	simm.s32 $0x2;
	s6 =	sadd.s32 $0x2000, s6  }
.LBB2_1:
0xb: {  	s11 =	sadd.s32 $0x0, s6  }
0xc: {  	[tilespmem:s2], [sflag:$0x2] =	stream.linear.gather [hbm4b:s11+s2], $0x3E8, $0x38;
	[tilespmem:$0xFDE8] =	vst v63  }
0xd: {  	_ =	swait.ge [sflag:s7], $0x3E8  }
0xe: {  	[sflag:s7] =	ssyncset.done $0x0  }
0xf: {  	[sflag:s7] =	ssyncadd.s32 $0xFFFFFC18  }
0x10: {  	[tilespmem:s8], [sflag:$0x1] =	stream.indirect.gather [hbm4b:s3+s8], $0x40, s2, s8, $0xb8;
	[tilespmem:$0xFDE8] =	vst v63  }
0x11: {  	_ =	swait.ge [sflag:s9], $0xFA00  }
0x12: {  	[sflag:s9] =	ssyncset.done $0x0  }
0x13: {  	[sflag:s9] =	ssyncadd.s32 $0xFFFF0600  }
0x14: {  	[hbm4b:s5+s2] =	stream.linear.scatter [tilespmem:s8], [sflag:$0x2], $0xFA00, $0x38;
	[tilespmem:$0xFDE8] =	vst v63  }
0x15: {  	s12 =	simm.s32 $0x7D;
	_ =	swait.ge [sflag:s7], $0xFA00  }
0x16: {  	s13 =	simm.s32 $0xFA;
	s11 =	sadd.s32 $0x1F40, s5;
	[sflag:s7] =	ssyncset.done $0x0  }
.LBB2_2:
0x17: {  	s14 =	sadd.s32 s12, s6  }
0x18: {  	[sflag:s7] =	ssyncadd.s32 $0xFFFF0600;
	s12 =	smov.u32 s13;
	s15 =	sadd.s32 $0x7D, s13  }
0x19: {  	[tilespmem:s2], [sflag:$0x2] =	stream.linear.gather [hbm4b:s14+s2], $0x3E8, $0x38;
	[tilespmem:$0xFDE8] =	vst v63  }
0x1a: {  	p0 =	sne.s32 s13, $0x6D6;
	_ =	swait.ge [sflag:s7], $0x3E8  }
0x1b: {  	[sflag:s7] =	ssyncset.done $0x0  }
0x1c: {  	[sflag:s7] =	ssyncadd.s32 $0xFFFFFC18  }
0x1d: {  	[tilespmem:s8], [sflag:$0x1] =	stream.indirect.gather [hbm4b:s3+s8], $0x40, s2, s8, $0xb8;
	[tilespmem:$0xFDE8] =	vst v63  }
0x1e: {  	_ =	swait.ge [sflag:s9], $0xFA00  }
.Ltmp0:
0x1f: {  	[sflag:s9] =	ssyncset.done $0x0;
	(pc) =	sbr.rel @p0 .LBB2_2-.Ltmp0, $4  }
0x20: {  	[sflag:s9] =	ssyncadd.s32 $0xFFFF0600  }
0x21: {  	[hbm4b:s11+s2] =	stream.linear.scatter [tilespmem:s8], [sflag:$0x2], $0xFA00, $0x38;
	[tilespmem:$0xFDE8] =	vst v63  }
0x22: {  	_ =	swait.ge [sflag:s7], $0xFA00  }
0x23: {  	s13 =	smov.u32 s15;
	s11 =	sadd.s32 $0x1F40, s11;
	[sflag:s7] =	ssyncset.done $0x0  }
0x24: {  	s12 =	sadd.s32 s12, s6;
	[sflag:s7] =	ssyncadd.s32 $0xFFFF0600  }
0x25: {  	[tilespmem:s2], [sflag:$0x2] =	stream.linear.gather [hbm4b:s12+s2], $0x3E8, $0x38;
	[tilespmem:$0xFDE8] =	vst v63  }
0x26: {  	_ =	swait.ge [sflag:s7], $0x3E8  }
0x27: {  	[sflag:s7] =	ssyncset.done $0x0  }
0x28: {  	[sflag:s7] =	ssyncadd.s32 $0xFFFFFC18  }
0x29: {  	[tilespmem:s8], [sflag:$0x1] =	stream.indirect.gather [hbm4b:s3+s8], $0x40, s2, s8, $0xb8;
	[tilespmem:$0xFDE8] =	vst v63  }
0x2a: {  	s10 =	sadd.s32 $0x1, s10;
	_ =	swait.ge [sflag:s9], $0xFA00  }
0x2b: {  	p0 =	sne.s32 s10, s4;
	[sflag:s9] =	ssyncset.done $0x0  }
.Ltmp1:
0x2c: {  	[sflag:s9] =	ssyncadd.s32 $0xFFFF0600;
	(pc) =	sbr.rel @p0 .LBB2_1-.Ltmp1, $4  }
0x2d: {  	[hbm4b:s11+s2] =	stream.linear.scatter [tilespmem:s8], [sflag:$0x2], $0xFA00, $0x38;
	[tilespmem:$0xFDE8] =	vst v63  }
0x2e: {  	_ =	swait.ge [sflag:s7], $0xFA00  }
0x2f: {  	[sflag:s7] =	ssyncset.done $0x0  }
0x30: {  	[sflag:s7] =	ssyncadd.s32 $0xFFFF0600  }
0x31: {  	_ =	sfence.sel $0x180000  }
0x32: {  	[bflag:$0x0] =	sbarrier.arrive $0xFFFF  }
0x33: {  	p0 =	sne.s32 s1, $0x0;
	_ =	strace $0x90000047  }
0x34: {  	s0 =	sadd.s32 @!p0 $0x100000, s0;
	[bflag:$0x2] =	sbarrier.arrive $0xFFFF  }
0x35: {  	[sflag:s0] =	ssyncadd.tile.s32 @!p0 $0x1;
	_ =	shalt  }
.Lfunc_end2:
_tile_overlayer_lowered:
.L_overlay_start_2:
0x36: {  	(tag) =	ssettag $0x2  }
0x37: {  	s0 =	rddreg [dreg:$0x0];
	s2 =	stileid.u32  }
0x38: {  	s1 =	rddreg [dreg:$0x1];
	p0 =	sne.s32 s2, $0x0  }
0x39: {  	s3 =	rddreg [dreg:$0x2];
	[bflag:$0x3] =	sbarrier.arrive $0xFFFF;
	s2 =	simm.s32 @!p0 $0x1C02  }
0x3a: {  	[timem:s3], [sflag:s2] =	dma.local @!p0 [hbm:s0], s1  }
0x3b: {  	s0 =	simm.s32 @!p0 $0x2  }
0x3c: {  	_ =	swait.ge @!p0 [sflag:s0], s1  }
0x3d: {  	s1 =	ssub.s32 @!p0 $0x0, s1;
	[sflag:s0] =	ssyncset.done @!p0 $0x0  }
0x3e: {  	[sflag:s0] =	ssyncadd.s32 @!p0 s1  }
0x3f: {  	[bflag:$0x3] =	sbarrier.arrive $0xFFFF  }
0x40: {  	_ =	shalt  }

</sc_bundles>
